<compile_context>
chip_gen: v7x
topology: tpu7x:2x2x1
jax: 0.10.2.dev20260603
libtpu: 0.0.44.dev20260713+nightly
codegen_flags: <defaults>
</compile_context>

<pallas_src>
import functools

import jax
import jax.numpy as jnp
from jax import lax
from jax.experimental import pallas as pl
from jax.experimental.pallas import tpu as pltpu
from jax.experimental.pallas import tpu_sc as plsc

_N = 4096
_K = 16
_D = 128
_BLK = 256
_BIG = 1e30
_TAKEN = 2e30


def _tc_body(pos_blk_ref, pos_t_ref, pos_ref, sq_col_ref, sq_row_ref,
             bat_col_ref, bat_row_ref, wac_ref, wbc_ref, w9_ref, b_ref,
             enc_ref, idx_ref):
    pos_blk = pos_blk_ref[...]
    pos_t = pos_t_ref[...]
    dots = jax.lax.dot_general(pos_blk, pos_t, (((1,), (0,)), ((), ())),
                               preferred_element_type=jnp.float32)
    d2 = sq_col_ref[...] + sq_row_ref[...] - 2.0 * dots
    mask = bat_col_ref[...] != bat_row_ref[...]
    d2 = jnp.where(mask, _BIG, d2)

    colf = jax.lax.broadcasted_iota(jnp.int32, (_BLK, _N), 1).astype(jnp.float32)
    pos_all = pos_ref[...]
    base_i = jax.lax.dot_general(pos_blk, wac_ref[...],
                                 (((1,), (0,)), ((), ())),
                                 preferred_element_type=jnp.float32)
    base_i = base_i + b_ref[...]
    wbc = wbc_ref[...]
    w9 = w9_ref[...]

    amins = []
    for k in range(_K):
        m = jnp.min(d2, axis=1, keepdims=True)
        cand = jnp.where(d2 == m, colf, jnp.float32(_N))
        amin = jnp.min(cand, axis=1, keepdims=True)
        amins.append(amin)
        onehot_b = colf == amin
        onehot = onehot_b.astype(jnp.float32)
        d2 = jnp.where(onehot_b, _TAKEN, d2)
        pos_j = jax.lax.dot_general(onehot, pos_all,
                                    (((1,), (0,)), ((), ())),
                                    preferred_element_type=jnp.float32)
        rel = pos_blk - pos_j
        dist = jnp.sqrt(jnp.sum(rel * rel, axis=1, keepdims=True) + 1e-12)
        enc = base_i + jax.lax.dot_general(pos_j, wbc,
                                           (((1,), (0,)), ((), ())),
                                           preferred_element_type=jnp.float32)
        enc_ref[:, k, :] = jnp.maximum(enc + dist * w9, 0.0)
    idx_ref[...] = jnp.concatenate(amins, axis=1).astype(jnp.int32)


def _tc_stage(x, pos, batch, W, b):
    n = pos.shape[0]
    bat = batch.astype(jnp.int32)
    bat_col = bat.reshape(n, 1)
    bat_row = bat.reshape(1, n)
    pos_t = pos.T
    sq = jnp.sum(pos * pos, axis=-1)
    wac = W[0:3] + W[6:9]
    wbc = W[3:6] - W[6:9]
    w9 = W[9:10]
    b2 = b.reshape(1, _D)

    grid = (n // _BLK,)
    enc, idx = pl.pallas_call(
        _tc_body,
        grid=grid,
        in_specs=[
            pl.BlockSpec((_BLK, 3), lambda i: (i, 0)),
            pl.BlockSpec((3, n), lambda i: (0, 0)),
            pl.BlockSpec((n, 3), lambda i: (0, 0)),
            pl.BlockSpec((_BLK, 1), lambda i: (i, 0)),
            pl.BlockSpec((1, n), lambda i: (0, 0)),
            pl.BlockSpec((_BLK, 1), lambda i: (i, 0)),
            pl.BlockSpec((1, n), lambda i: (0, 0)),
            pl.BlockSpec((3, _D), lambda i: (0, 0)),
            pl.BlockSpec((3, _D), lambda i: (0, 0)),
            pl.BlockSpec((1, _D), lambda i: (0, 0)),
            pl.BlockSpec((1, _D), lambda i: (0, 0)),
        ],
        out_specs=[
            pl.BlockSpec((_BLK, _K, _D), lambda i: (i, 0, 0)),
            pl.BlockSpec((_BLK, _K), lambda i: (i, 0)),
        ],
        out_shape=[
            jax.ShapeDtypeStruct((n, _K, _D), jnp.float32),
            jax.ShapeDtypeStruct((n, _K), jnp.int32),
        ],
    )(pos, pos_t, pos, sq.reshape(n, 1), sq.reshape(1, n),
      bat_col, bat_row, wac, wbc, w9, b2)
    return enc, idx


def _sc_gather(x, idx_flat, enc2d):
    nrows = idx_flat.shape[0]
    info = plsc.get_sparse_core_info()
    nc, ns = info.num_cores, info.num_subcores
    nw = nc * ns
    b_per_w = nrows // nw
    sub = 256
    nsub = b_per_w // sub
    mesh = plsc.VectorSubcoreMesh(core_axis_name="c", subcore_axis_name="s")

    @functools.partial(
        pl.kernel, mesh=mesh,
        out_type=jax.ShapeDtypeStruct((nrows, 2 * _D), jnp.float32),
        scratch_types=[
            pltpu.VMEM((b_per_w,), jnp.int32),
            pltpu.VMEM((2, sub, _D), jnp.float32),
            pltpu.VMEM((sub, _D), jnp.float32),
            pltpu.SemaphoreType.DMA,
            pltpu.SemaphoreType.DMA,
        ],
    )
    def g(x_hbm, idx_hbm, enc_hbm, out_hbm, idx_v, xrow_v, enc_v, sem0, sem1):
        wid = lax.axis_index("s") * nc + lax.axis_index("c")
        base0 = wid * b_per_w
        pltpu.sync_copy(idx_hbm.at[pl.ds(base0, b_per_w)], idx_v)
        sems = (sem0, sem1)
        cps = [None, None]
        cps[0] = pltpu.async_copy(x_hbm.at[idx_v.at[pl.ds(0, sub)]],
                                  xrow_v.at[0], sems[0])
        for s in range(nsub):
            cur, nxt = s % 2, (s + 1) % 2
            if s + 1 < nsub:
                cps[nxt] = pltpu.async_copy(
                    x_hbm.at[idx_v.at[pl.ds((s + 1) * sub, sub)]],
                    xrow_v.at[nxt], sems[nxt])
            b0 = base0 + s * sub
            pltpu.sync_copy(enc_hbm.at[pl.ds(b0, sub)], enc_v)
            pltpu.sync_copy(enc_v, out_hbm.at[pl.ds(b0, sub), pl.ds(0, _D)])
            cps[cur].wait()
            pltpu.sync_copy(xrow_v.at[cur],
                            out_hbm.at[pl.ds(b0, sub), pl.ds(_D, _D)])

    return g(x, idx_flat, enc2d)


def kernel(x, pos, batch, W, b):
    n = pos.shape[0]
    enc, idx = _tc_stage(x, pos, batch, W, b)
    out2d = _sc_gather(x, idx.reshape(n * _K), enc.reshape(n * _K, _D))
    return out2d.reshape(n, _K, 2 * _D)

# --- scband reference (transcript-rebuilt; emitter-appended) ---
"""Pipeline reference for scband-local-spatial-encoding-48962627174703 (READ-ONLY COPY).

The authoritative reference and input builder live on the scoring server;
editing this copy changes nothing except your own understanding.
"""

import jax, jax.numpy as jnp
import numpy as np

N = 4096
D_IN = 128
K = 16
NUM_CLOUDS = 4


def setup_inputs(seed: int = 0) -> dict:
    key = jax.random.key(seed)
    k1, k2, k3, k4 = jax.random.split(key, 4)
    x = jax.random.normal(k1, (N, D_IN), dtype=jnp.float32)
    pos = jax.random.uniform(k2, (N, 3), dtype=jnp.float32)
    batch = jnp.sort(jax.random.randint(k3, (N,), 0, NUM_CLOUDS)).astype(jnp.int64)
    # learned params of the 10 -> d_in shared MLP used to encode relative point positions
    W = jax.random.normal(k4, (10, D_IN), dtype=jnp.float32) * 0.1
    b = jnp.zeros((D_IN,), dtype=jnp.float32)
    return {"x": x, "pos": pos, "batch": batch, "W": W, "b": b}


def _knn_idx(pos, batch):
    # batched brute-force knn: mask out cross-cloud pairs, take K smallest distances
    sq = jnp.sum(pos * pos, axis=-1)
    d2 = sq[:, None] + sq[None, :] - 2.0 * (pos @ pos.T)
    mask = batch[:, None] != batch[None, :]
    d2 = jnp.where(mask, jnp.inf, d2)
    _, idx = jax.lax.top_k(-d2, K)
    return idx


def reference(x, pos, batch, W, b):
    idx = _knn_idx(pos, batch)                      # [N, K] neighbor indices (self included)
    pos_j = pos[idx]                                # [N, K, 3] gather neighbor coords
    pos_i = jnp.broadcast_to(pos[:, None, :], (pos.shape[0], K, 3))
    rel = pos_i - pos_j                             # [N, K, 3]
    dist = jnp.sqrt(jnp.sum(rel * rel, axis=-1, keepdims=True) + 1e-12)  # [N, K, 1]
    # relative point position encoding: (p_i, p_j, p_i - p_j, ||p_i - p_j||) -> 10 dims
    spatial = jnp.concatenate([pos_i, pos_j, rel, dist], axis=-1)        # [N, K, 10]
    enc = jax.nn.relu(spatial @ W + b)              # [N, K, d_in] shared MLP
    x_j = x[idx]                                    # [N, K, d_in] gather neighbor features
    out = jnp.concatenate([enc, x_j], axis=-1)      # [N, K, 2*d_in]
    return out

if __name__ == "__main__":
    import jax
    _d = setup_inputs()
    print(jax.jit(kernel)(*tuple(_d.values())))

</pallas_src>

<mosaic_0001>
#map = affine_map<(d0, d1) -> (0, 0)>
#map1 = affine_map<(d0, d1) -> (0)>
module attributes {stable_mosaic.version = 14 : i64} {
  func.func @g(%arg0: i32, %arg1: i32, %arg2: memref<4096x128xf32, #tpu.memory_space<hbm>>, %arg3: memref<65536xi32, #tpu.memory_space<hbm>>, %arg4: memref<65536x128xf32, #tpu.memory_space<hbm>>, %arg5: memref<65536x256xf32, #tpu.memory_space<hbm>>, %arg6: memref<2048xi32, #tpu.memory_space<vmem>>, %arg7: memref<2x256x128xf32, #tpu.memory_space<vmem>>, %arg8: memref<256x128xf32, #tpu.memory_space<vmem>>, %arg9: memref<!tpu.dma_semaphore, #tpu.memory_space<semaphore_mem>>, %arg10: memref<!tpu.dma_semaphore, #tpu.memory_space<semaphore_mem>>) attributes {dimension_semantics = [#tpu.dimension_semantics<core_parallel>, #tpu.dimension_semantics<subcore_parallel>], iteration_bounds = array<i64: 2, 16>, scalar_prefetch = 0 : i64, scratch_operands = 5 : i64, tpu.core_type = #tpu.core_type<sc_vector_subcore>, window_params = [{transform_indices = #map}, {transform_indices = #map1}, {transform_indices = #map}, {transform_indices = #map}]} {
    %mul3A = arith.constant 2 : i32
    %mul3A_0 = arith.muli %arg1, %mul3A : i32
    %add3A = arith.addi %mul3A_0, %arg0 : i32
    %mul3A_1 = arith.constant 2048 : i32
    %mul3A_2 = arith.muli %add3A, %mul3A_1 : i32
    "tpu.region"() ({
      %run_scoped3A_184 = tpu.sem_alloc : memref<!tpu.dma_semaphore, #tpu.memory_space<semaphore_mem>>
      %dma_start3A_185 = tpu.memref_slice %arg3[%mul3A_2] : memref<65536xi32, #tpu.memory_space<hbm>> -> memref<2048xi32, #tpu.memory_space<hbm>>
      %dma_start3A_186 = tpu.memref_slice %arg3[%mul3A_2] : memref<65536xi32, #tpu.memory_space<hbm>> -> memref<2048xi32, #tpu.memory_space<hbm>>
      tpu.enqueue_dma source(%dma_start3A_186 : memref<2048xi32, #tpu.memory_space<hbm>>) target(%arg6 : memref<2048xi32, #tpu.memory_space<vmem>>) target_semaphore(%run_scoped3A_184 : memref<!tpu.dma_semaphore, #tpu.memory_space<semaphore_mem>>)
      %dma_wait3A_187 = tpu.memref_slice %arg3[%mul3A_2] : memref<65536xi32, #tpu.memory_space<hbm>> -> memref<2048xi32, #tpu.memory_space<hbm>>
      %dma_wait3A_188 = tpu.memref_slice %arg3[%mul3A_2] : memref<65536xi32, #tpu.memory_space<hbm>> -> memref<2048xi32, #tpu.memory_space<hbm>>
      tpu.wait_dma2 semaphore(%run_scoped3A_184 : memref<!tpu.dma_semaphore, #tpu.memory_space<semaphore_mem>>) src(%dma_wait3A_188 : memref<2048xi32, #tpu.memory_space<hbm>>) dst(%arg6 : memref<2048xi32, #tpu.memory_space<vmem>>)
      tpu.yield
    }) : () -> ()
    %dma_start3A = arith.constant 0 : i32
    %dma_start3A_3 = arith.constant 0 : i32
    %dma_start3A_4 = arith.constant 0 : i32
    %dma_start3A_5 = tpu.memref_slice %arg7[%dma_start3A, %dma_start3A_3, %dma_start3A_4] : memref<2x256x128xf32, #tpu.memory_space<vmem>> -> memref<1x256x128xf32, #tpu.memory_space<vmem>>
    %dma_start3A_6 = tpu.memref_squeeze %dma_start3A_5 : memref<1x256x128xf32, #tpu.memory_space<vmem>> -> memref<256x128xf32, #tpu.memory_space<vmem>>
    %dma_start3A_7 = arith.constant 0 : i32
    %dma_start3A_8 = tpu.memref_slice %arg6[%dma_start3A_7] : memref<2048xi32, #tpu.memory_space<vmem>> -> memref<256xi32, #tpu.memory_space<vmem>>
    %dma_start3A_9 = arith.constant 0 : i32
    %dma_start3A_10 = arith.constant 0 : i32
    %dma_start3A_11 = tpu.memref_slice %arg2[%dma_start3A_9, %dma_start3A_10] : memref<4096x128xf32, #tpu.memory_space<hbm>> -> memref<4096x128xf32, #tpu.memory_space<hbm>>
    tpu.enqueue_indirect_dma source(%dma_start3A_11 : memref<4096x128xf32, #tpu.memory_space<hbm>>) target(%dma_start3A_6 : memref<256x128xf32, #tpu.memory_space<vmem>>) offsets(%dma_start3A_8 : memref<256xi32, #tpu.memory_space<vmem>>) semaphore(%arg9 : memref<!tpu.dma_semaphore, #tpu.memory_space<semaphore_mem>>)
    %dma_start3A_12 = arith.constant 1 : i32
    %dma_start3A_13 = arith.constant 0 : i32
    %dma_start3A_14 = arith.constant 0 : i32
    %dma_start3A_15 = tpu.memref_slice %arg7[%dma_start3A_12, %dma_start3A_13, %dma_start3A_14] : memref<2x256x128xf32, #tpu.memory_space<vmem>> -> memref<1x256x128xf32, #tpu.memory_space<vmem>>
    %dma_start3A_16 = tpu.memref_squeeze %dma_start3A_15 : memref<1x256x128xf32, #tpu.memory_space<vmem>> -> memref<256x128xf32, #tpu.memory_space<vmem>>
    %dma_start3A_17 = arith.constant 256 : i32
    %dma_start3A_18 = tpu.memref_slice %arg6[%dma_start3A_17] : memref<2048xi32, #tpu.memory_space<vmem>> -> memref<256xi32, #tpu.memory_space<vmem>>
    %dma_start3A_19 = arith.constant 0 : i32
    %dma_start3A_20 = arith.constant 0 : i32
    %dma_start3A_21 = tpu.memref_slice %arg2[%dma_start3A_19, %dma_start3A_20] : memref<4096x128xf32, #tpu.memory_space<hbm>> -> memref<4096x128xf32, #tpu.memory_space<hbm>>
    tpu.enqueue_indirect_dma source(%dma_start3A_21 : memref<4096x128xf32, #tpu.memory_space<hbm>>) target(%dma_start3A_16 : memref<256x128xf32, #tpu.memory_space<vmem>>) offsets(%dma_start3A_18 : memref<256xi32, #tpu.memory_space<vmem>>) semaphore(%arg10 : memref<!tpu.dma_semaphore, #tpu.memory_space<semaphore_mem>>)
    %add3A_22 = arith.constant 0 : i32
    %add3A_23 = arith.addi %mul3A_2, %add3A_22 : i32
    "tpu.region"() ({
      %run_scoped3A_184 = tpu.sem_alloc : memref<!tpu.dma_semaphore, #tpu.memory_space<semaphore_mem>>
      %dma_start3A_185 = arith.constant 0 : i32
      %dma_start3A_186 = tpu.memref_slice %arg4[%add3A_23, %dma_start3A_185] : memref<65536x128xf32, #tpu.memory_space<hbm>> -> memref<256x128xf32, #tpu.memory_space<hbm>>
      %dma_start3A_187 = arith.constant 0 : i32
      %dma_start3A_188 = tpu.memref_slice %arg4[%add3A_23, %dma_start3A_187] : memref<65536x128xf32, #tpu.memory_space<hbm>> -> memref<256x128xf32, #tpu.memory_space<hbm>>
      tpu.enqueue_dma source(%dma_start3A_188 : memref<256x128xf32, #tpu.memory_space<hbm>>) target(%arg8 : memref<256x128xf32, #tpu.memory_space<vmem>>) target_semaphore(%run_scoped3A_184 : memref<!tpu.dma_semaphore, #tpu.memory_space<semaphore_mem>>)
      %dma_wait3A_189 = arith.constant 0 : i32
      %dma_wait3A_190 = tpu.memref_slice %arg4[%add3A_23, %dma_wait3A_189] : memref<65536x128xf32, #tpu.memory_space<hbm>> -> memref<256x128xf32, #tpu.memory_space<hbm>>
      %dma_wait3A_191 = arith.constant 0 : i32
      %dma_wait3A_192 = tpu.memref_slice %arg4[%add3A_23, %dma_wait3A_191] : memref<65536x128xf32, #tpu.memory_space<hbm>> -> memref<256x128xf32, #tpu.memory_space<hbm>>
      tpu.wait_dma2 semaphore(%run_scoped3A_184 : memref<!tpu.dma_semaphore, #tpu.memory_space<semaphore_mem>>) src(%dma_wait3A_192 : memref<256x128xf32, #tpu.memory_space<hbm>>) dst(%arg8 : memref<256x128xf32, #tpu.memory_space<vmem>>)
      tpu.yield
    }) : () -> ()
    "tpu.region"() ({
      %run_scoped3A_184 = tpu.sem_alloc : memref<!tpu.dma_semaphore, #tpu.memory_space<semaphore_mem>>
      %dma_start3A_185 = arith.constant 0 : i32
      %dma_start3A_186 = tpu.memref_slice %arg5[%add3A_23, %dma_start3A_185] : memref<65536x256xf32, #tpu.memory_space<hbm>> -> memref<256x128xf32, #tpu.memory_space<hbm>>
      %dma_start3A_187 = arith.constant 0 : i32
      %dma_start3A_188 = tpu.memref_slice %arg5[%add3A_23, %dma_start3A_187] : memref<65536x256xf32, #tpu.memory_space<hbm>> -> memref<256x128xf32, #tpu.memory_space<hbm>>
      tpu.enqueue_dma source(%arg8 : memref<256x128xf32, #tpu.memory_space<vmem>>) target(%dma_start3A_188 : memref<256x128xf32, #tpu.memory_space<hbm>>) target_semaphore(%run_scoped3A_184 : memref<!tpu.dma_semaphore, #tpu.memory_space<semaphore_mem>>)
      %dma_wait3A_189 = arith.constant 0 : i32
      %dma_wait3A_190 = tpu.memref_slice %arg5[%add3A_23, %dma_wait3A_189] : memref<65536x256xf32, #tpu.memory_space<hbm>> -> memref<256x128xf32, #tpu.memory_space<hbm>>
      %dma_wait3A_191 = arith.constant 0 : i32
      %dma_wait3A_192 = tpu.memref_slice %arg5[%add3A_23, %dma_wait3A_191] : memref<65536x256xf32, #tpu.memory_space<hbm>> -> memref<256x128xf32, #tpu.memory_space<hbm>>
      tpu.wait_dma2 semaphore(%run_scoped3A_184 : memref<!tpu.dma_semaphore, #tpu.memory_space<semaphore_mem>>) src(%arg8 : memref<256x128xf32, #tpu.memory_space<vmem>>) dst(%dma_wait3A_192 : memref<256x128xf32, #tpu.memory_space<hbm>>)
      tpu.yield
    }) : () -> ()
    %dma_wait3A = arith.constant 0 : i32
    %dma_wait3A_24 = arith.constant 0 : i32
    %dma_wait3A_25 = arith.constant 0 : i32
    %dma_wait3A_26 = tpu.memref_slice %arg7[%dma_wait3A, %dma_wait3A_24, %dma_wait3A_25] : memref<2x256x128xf32, #tpu.memory_space<vmem>> -> memref<1x256x128xf32, #tpu.memory_space<vmem>>
    %dma_wait3A_27 = tpu.memref_squeeze %dma_wait3A_26 : memref<1x256x128xf32, #tpu.memory_space<vmem>> -> memref<256x128xf32, #tpu.memory_space<vmem>>
    %dma_wait3A_28 = arith.constant 0 : i32
    %dma_wait3A_29 = tpu.memref_slice %arg6[%dma_wait3A_28] : memref<2048xi32, #tpu.memory_space<vmem>> -> memref<256xi32, #tpu.memory_space<vmem>>
    %dma_wait3A_30 = arith.constant 0 : i32
    %dma_wait3A_31 = arith.constant 0 : i32
    %dma_wait3A_32 = tpu.memref_slice %arg2[%dma_wait3A_30, %dma_wait3A_31] : memref<4096x128xf32, #tpu.memory_space<hbm>> -> memref<4096x128xf32, #tpu.memory_space<hbm>>
    tpu.wait_indirect_dma semaphore(%arg9 : memref<!tpu.dma_semaphore, #tpu.memory_space<semaphore_mem>>) src(%dma_wait3A_32 : memref<4096x128xf32, #tpu.memory_space<hbm>>) dst(%dma_wait3A_27 : memref<256x128xf32, #tpu.memory_space<vmem>>)
    %run_scoped3A = arith.constant 0 : i32
    "tpu.region"() ({
      %run_scoped3A_184 = tpu.sem_alloc : memref<!tpu.dma_semaphore, #tpu.memory_space<semaphore_mem>>
      %dma_start3A_185 = arith.constant 0 : i32
      %dma_start3A_186 = arith.constant 0 : i32
      %dma_start3A_187 = tpu.memref_slice %arg7[%run_scoped3A, %dma_start3A_185, %dma_start3A_186] : memref<2x256x128xf32, #tpu.memory_space<vmem>> -> memref<1x256x128xf32, #tpu.memory_space<vmem>>
      %dma_start3A_188 = tpu.memref_squeeze %dma_start3A_187 : memref<1x256x128xf32, #tpu.memory_space<vmem>> -> memref<256x128xf32, #tpu.memory_space<vmem>>
      %dma_start3A_189 = arith.constant 128 : i32
      %dma_start3A_190 = tpu.memref_slice %arg5[%add3A_23, %dma_start3A_189] : memref<65536x256xf32, #tpu.memory_space<hbm>> -> memref<256x128xf32, #tpu.memory_space<hbm>>
      %dma_start3A_191 = arith.constant 128 : i32
      %dma_start3A_192 = tpu.memref_slice %arg5[%add3A_23, %dma_start3A_191] : memref<65536x256xf32, #tpu.memory_space<hbm>> -> memref<256x128xf32, #tpu.memory_space<hbm>>
      %dma_start3A_193 = arith.constant 0 : i32
      %dma_start3A_194 = arith.constant 0 : i32
      %dma_start3A_195 = tpu.memref_slice %arg7[%run_scoped3A, %dma_start3A_193, %dma_start3A_194] : memref<2x256x128xf32, #tpu.memory_space<vmem>> -> memref<1x256x128xf32, #tpu.memory_space<vmem>>
      %dma_start3A_196 = tpu.memref_squeeze %dma_start3A_195 : memref<1x256x128xf32, #tpu.memory_space<vmem>> -> memref<256x128xf32, #tpu.memory_space<vmem>>
      tpu.enqueue_dma source(%dma_start3A_196 : memref<256x128xf32, #tpu.memory_space<vmem>>) target(%dma_start3A_192 : memref<256x128xf32, #tpu.memory_space<hbm>>) target_semaphore(%run_scoped3A_184 : memref<!tpu.dma_semaphore, #tpu.memory_space<semaphore_mem>>)
      %dma_wait3A_197 = arith.constant 0 : i32
      %dma_wait3A_198 = arith.constant 0 : i32
      %dma_wait3A_199 = tpu.memref_slice %arg7[%run_scoped3A, %dma_wait3A_197, %dma_wait3A_198] : memref<2x256x128xf32, #tpu.memory_space<vmem>> -> memref<1x256x128xf32, #tpu.memory_space<vmem>>
      %dma_wait3A_200 = tpu.memref_squeeze %dma_wait3A_199 : memref<1x256x128xf32, #tpu.memory_space<vmem>> -> memref<256x128xf32, #tpu.memory_space<vmem>>
      %dma_wait3A_201 = arith.constant 128 : i32
      %dma_wait3A_202 = tpu.memref_slice %arg5[%add3A_23, %dma_wait3A_201] : memref<65536x256xf32, #tpu.memory_space<hbm>> -> memref<256x128xf32, #tpu.memory_space<hbm>>
      %dma_wait3A_203 = arith.constant 128 : i32
      %dma_wait3A_204 = tpu.memref_slice %arg5[%add3A_23, %dma_wait3A_203] : memref<65536x256xf32, #tpu.memory_space<hbm>> -> memref<256x128xf32, #tpu.memory_space<hbm>>
      %dma_wait3A_205 = arith.constant 0 : i32
      %dma_wait3A_206 = arith.constant 0 : i32
      %dma_wait3A_207 = tpu.memref_slice %arg7[%run_scoped3A, %dma_wait3A_205, %dma_wait3A_206] : memref<2x256x128xf32, #tpu.memory_space<vmem>> -> memref<1x256x128xf32, #tpu.memory_space<vmem>>
      %dma_wait3A_208 = tpu.memref_squeeze %dma_wait3A_207 : memref<1x256x128xf32, #tpu.memory_space<vmem>> -> memref<256x128xf32, #tpu.memory_space<vmem>>
      tpu.wait_dma2 semaphore(%run_scoped3A_184 : memref<!tpu.dma_semaphore, #tpu.memory_space<semaphore_mem>>) src(%dma_wait3A_208 : memref<256x128xf32, #tpu.memory_space<vmem>>) dst(%dma_wait3A_204 : memref<256x128xf32, #tpu.memory_space<hbm>>)
      tpu.yield
    }) : () -> ()
    %dma_start3A_33 = arith.constant 0 : i32
    %dma_start3A_34 = arith.constant 0 : i32
    %dma_start3A_35 = arith.constant 0 : i32
    %dma_start3A_36 = tpu.memref_slice %arg7[%dma_start3A_33, %dma_start3A_34, %dma_start3A_35] : memref<2x256x128xf32, #tpu.memory_space<vmem>> -> memref<1x256x128xf32, #tpu.memory_space<vmem>>
    %dma_start3A_37 = tpu.memref_squeeze %dma_start3A_36 : memref<1x256x128xf32, #tpu.memory_space<vmem>> -> memref<256x128xf32, #tpu.memory_space<vmem>>
    %dma_start3A_38 = arith.constant 512 : i32
    %dma_start3A_39 = tpu.memref_slice %arg6[%dma_start3A_38] : memref<2048xi32, #tpu.memory_space<vmem>> -> memref<256xi32, #tpu.memory_space<vmem>>
    %dma_start3A_40 = arith.constant 0 : i32
    %dma_start3A_41 = arith.constant 0 : i32
    %dma_start3A_42 = tpu.memref_slice %arg2[%dma_start3A_40, %dma_start3A_41] : memref<4096x128xf32, #tpu.memory_space<hbm>> -> memref<4096x128xf32, #tpu.memory_space<hbm>>
    tpu.enqueue_indirect_dma source(%dma_start3A_42 : memref<4096x128xf32, #tpu.memory_space<hbm>>) target(%dma_start3A_37 : memref<256x128xf32, #tpu.memory_space<vmem>>) offsets(%dma_start3A_39 : memref<256xi32, #tpu.memory_space<vmem>>) semaphore(%arg9 : memref<!tpu.dma_semaphore, #tpu.memory_space<semaphore_mem>>)
    %add3A_43 = arith.constant 256 : i32
    %add3A_44 = arith.addi %mul3A_2, %add3A_43 : i32
    "tpu.region"() ({
      %run_scoped3A_184 = tpu.sem_alloc : memref<!tpu.dma_semaphore, #tpu.memory_space<semaphore_mem>>
      %dma_start3A_185 = arith.constant 0 : i32
      %dma_start3A_186 = tpu.memref_slice %arg4[%add3A_44, %dma_start3A_185] : memref<65536x128xf32, #tpu.memory_space<hbm>> -> memref<256x128xf32, #tpu.memory_space<hbm>>
      %dma_start3A_187 = arith.constant 0 : i32
      %dma_start3A_188 = tpu.memref_slice %arg4[%add3A_44, %dma_start3A_187] : memref<65536x128xf32, #tpu.memory_space<hbm>> -> memref<256x128xf32, #tpu.memory_space<hbm>>
      tpu.enqueue_dma source(%dma_start3A_188 : memref<256x128xf32, #tpu.memory_space<hbm>>) target(%arg8 : memref<256x128xf32, #tpu.memory_space<vmem>>) target_semaphore(%run_scoped3A_184 : memref<!tpu.dma_semaphore, #tpu.memory_space<semaphore_mem>>)
      %dma_wait3A_189 = arith.constant 0 : i32
      %dma_wait3A_190 = tpu.memref_slice %arg4[%add3A_44, %dma_wait3A_189] : memref<65536x128xf32, #tpu.memory_space<hbm>> -> memref<256x128xf32, #tpu.memory_space<hbm>>
      %dma_wait3A_191 = arith.constant 0 : i32
      %dma_wait3A_192 = tpu.memref_slice %arg4[%add3A_44, %dma_wait3A_191] : memref<65536x128xf32, #tpu.memory_space<hbm>> -> memref<256x128xf32, #tpu.memory_space<hbm>>
      tpu.wait_dma2 semaphore(%run_scoped3A_184 : memref<!tpu.dma_semaphore, #tpu.memory_space<semaphore_mem>>) src(%dma_wait3A_192 : memref<256x128xf32, #tpu.memory_space<hbm>>) dst(%arg8 : memref<256x128xf32, #tpu.memory_space<vmem>>)
      tpu.yield
    }) : () -> ()
    "tpu.region"() ({
      %run_scoped3A_184 = tpu.sem_alloc : memref<!tpu.dma_semaphore, #tpu.memory_space<semaphore_mem>>
      %dma_start3A_185 = arith.constant 0 : i32
      %dma_start3A_186 = tpu.memref_slice %arg5[%add3A_44, %dma_start3A_185] : memref<65536x256xf32, #tpu.memory_space<hbm>> -> memref<256x128xf32, #tpu.memory_space<hbm>>
      %dma_start3A_187 = arith.constant 0 : i32
      %dma_start3A_188 = tpu.memref_slice %arg5[%add3A_44, %dma_start3A_187] : memref<65536x256xf32, #tpu.memory_space<hbm>> -> memref<256x128xf32, #tpu.memory_space<hbm>>
      tpu.enqueue_dma source(%arg8 : memref<256x128xf32, #tpu.memory_space<vmem>>) target(%dma_start3A_188 : memref<256x128xf32, #tpu.memory_space<hbm>>) target_semaphore(%run_scoped3A_184 : memref<!tpu.dma_semaphore, #tpu.memory_space<semaphore_mem>>)
      %dma_wait3A_189 = arith.constant 0 : i32
      %dma_wait3A_190 = tpu.memref_slice %arg5[%add3A_44, %dma_wait3A_189] : memref<65536x256xf32, #tpu.memory_space<hbm>> -> memref<256x128xf32, #tpu.memory_space<hbm>>
      %dma_wait3A_191 = arith.constant 0 : i32
      %dma_wait3A_192 = tpu.memref_slice %arg5[%add3A_44, %dma_wait3A_191] : memref<65536x256xf32, #tpu.memory_space<hbm>> -> memref<256x128xf32, #tpu.memory_space<hbm>>
      tpu.wait_dma2 semaphore(%run_scoped3A_184 : memref<!tpu.dma_semaphore, #tpu.memory_space<semaphore_mem>>) src(%arg8 : memref<256x128xf32, #tpu.memory_space<vmem>>) dst(%dma_wait3A_192 : memref<256x128xf32, #tpu.memory_space<hbm>>)
      tpu.yield
    }) : () -> ()
    %dma_wait3A_45 = arith.constant 1 : i32
    %dma_wait3A_46 = arith.constant 0 : i32
    %dma_wait3A_47 = arith.constant 0 : i32
    %dma_wait3A_48 = tpu.memref_slice %arg7[%dma_wait3A_45, %dma_wait3A_46, %dma_wait3A_47] : memref<2x256x128xf32, #tpu.memory_space<vmem>> -> memref<1x256x128xf32, #tpu.memory_space<vmem>>
    %dma_wait3A_49 = tpu.memref_squeeze %dma_wait3A_48 : memref<1x256x128xf32, #tpu.memory_space<vmem>> -> memref<256x128xf32, #tpu.memory_space<vmem>>
    %dma_wait3A_50 = arith.constant 256 : i32
    %dma_wait3A_51 = tpu.memref_slice %arg6[%dma_wait3A_50] : memref<2048xi32, #tpu.memory_space<vmem>> -> memref<256xi32, #tpu.memory_space<vmem>>
    %dma_wait3A_52 = arith.constant 0 : i32
    %dma_wait3A_53 = arith.constant 0 : i32
    %dma_wait3A_54 = tpu.memref_slice %arg2[%dma_wait3A_52, %dma_wait3A_53] : memref<4096x128xf32, #tpu.memory_space<hbm>> -> memref<4096x128xf32, #tpu.memory_space<hbm>>
    tpu.wait_indirect_dma semaphore(%arg10 : memref<!tpu.dma_semaphore, #tpu.memory_space<semaphore_mem>>) src(%dma_wait3A_54 : memref<4096x128xf32, #tpu.memory_space<hbm>>) dst(%dma_wait3A_49 : memref<256x128xf32, #tpu.memory_space<vmem>>)
    %run_scoped3A_55 = arith.constant 1 : i32
    "tpu.region"() ({
      %run_scoped3A_184 = tpu.sem_alloc : memref<!tpu.dma_semaphore, #tpu.memory_space<semaphore_mem>>
      %dma_start3A_185 = arith.constant 0 : i32
      %dma_start3A_186 = arith.constant 0 : i32
      %dma_start3A_187 = tpu.memref_slice %arg7[%run_scoped3A_55, %dma_start3A_185, %dma_start3A_186] : memref<2x256x128xf32, #tpu.memory_space<vmem>> -> memref<1x256x128xf32, #tpu.memory_space<vmem>>
      %dma_start3A_188 = tpu.memref_squeeze %dma_start3A_187 : memref<1x256x128xf32, #tpu.memory_space<vmem>> -> memref<256x128xf32, #tpu.memory_space<vmem>>
      %dma_start3A_189 = arith.constant 128 : i32
      %dma_start3A_190 = tpu.memref_slice %arg5[%add3A_44, %dma_start3A_189] : memref<65536x256xf32, #tpu.memory_space<hbm>> -> memref<256x128xf32, #tpu.memory_space<hbm>>
      %dma_start3A_191 = arith.constant 128 : i32
      %dma_start3A_192 = tpu.memref_slice %arg5[%add3A_44, %dma_start3A_191] : memref<65536x256xf32, #tpu.memory_space<hbm>> -> memref<256x128xf32, #tpu.memory_space<hbm>>
      %dma_start3A_193 = arith.constant 0 : i32
      %dma_start3A_194 = arith.constant 0 : i32
      %dma_start3A_195 = tpu.memref_slice %arg7[%run_scoped3A_55, %dma_start3A_193, %dma_start3A_194] : memref<2x256x128xf32, #tpu.memory_space<vmem>> -> memref<1x256x128xf32, #tpu.memory_space<vmem>>
      %dma_start3A_196 = tpu.memref_squeeze %dma_start3A_195 : memref<1x256x128xf32, #tpu.memory_space<vmem>> -> memref<256x128xf32, #tpu.memory_space<vmem>>
      tpu.enqueue_dma source(%dma_start3A_196 : memref<256x128xf32, #tpu.memory_space<vmem>>) target(%dma_start3A_192 : memref<256x128xf32, #tpu.memory_space<hbm>>) target_semaphore(%run_scoped3A_184 : memref<!tpu.dma_semaphore, #tpu.memory_space<semaphore_mem>>)
      %dma_wait3A_197 = arith.constant 0 : i32
      %dma_wait3A_198 = arith.constant 0 : i32
      %dma_wait3A_199 = tpu.memref_slice %arg7[%run_scoped3A_55, %dma_wait3A_197, %dma_wait3A_198] : memref<2x256x128xf32, #tpu.memory_space<vmem>> -> memref<1x256x128xf32, #tpu.memory_space<vmem>>
      %dma_wait3A_200 = tpu.memref_squeeze %dma_wait3A_199 : memref<1x256x128xf32, #tpu.memory_space<vmem>> -> memref<256x128xf32, #tpu.memory_space<vmem>>
      %dma_wait3A_201 = arith.constant 128 : i32
      %dma_wait3A_202 = tpu.memref_slice %arg5[%add3A_44, %dma_wait3A_201] : memref<65536x256xf32, #tpu.memory_space<hbm>> -> memref<256x128xf32, #tpu.memory_space<hbm>>
      %dma_wait3A_203 = arith.constant 128 : i32
      %dma_wait3A_204 = tpu.memref_slice %arg5[%add3A_44, %dma_wait3A_203] : memref<65536x256xf32, #tpu.memory_space<hbm>> -> memref<256x128xf32, #tpu.memory_space<hbm>>
      %dma_wait3A_205 = arith.constant 0 : i32
      %dma_wait3A_206 = arith.constant 0 : i32
      %dma_wait3A_207 = tpu.memref_slice %arg7[%run_scoped3A_55, %dma_wait3A_205, %dma_wait3A_206] : memref<2x256x128xf32, #tpu.memory_space<vmem>> -> memref<1x256x128xf32, #tpu.memory_space<vmem>>
      %dma_wait3A_208 = tpu.memref_squeeze %dma_wait3A_207 : memref<1x256x128xf32, #tpu.memory_space<vmem>> -> memref<256x128xf32, #tpu.memory_space<vmem>>
      tpu.wait_dma2 semaphore(%run_scoped3A_184 : memref<!tpu.dma_semaphore, #tpu.memory_space<semaphore_mem>>) src(%dma_wait3A_208 : memref<256x128xf32, #tpu.memory_space<vmem>>) dst(%dma_wait3A_204 : memref<256x128xf32, #tpu.memory_space<hbm>>)
      tpu.yield
    }) : () -> ()
    %dma_start3A_56 = arith.constant 1 : i32
    %dma_start3A_57 = arith.constant 0 : i32
    %dma_start3A_58 = arith.constant 0 : i32
    %dma_start3A_59 = tpu.memref_slice %arg7[%dma_start3A_56, %dma_start3A_57, %dma_start3A_58] : memref<2x256x128xf32, #tpu.memory_space<vmem>> -> memref<1x256x128xf32, #tpu.memory_space<vmem>>
    %dma_start3A_60 = tpu.memref_squeeze %dma_start3A_59 : memref<1x256x128xf32, #tpu.memory_space<vmem>> -> memref<256x128xf32, #tpu.memory_space<vmem>>
    %dma_start3A_61 = arith.constant 768 : i32
    %dma_start3A_62 = tpu.memref_slice %arg6[%dma_start3A_61] : memref<2048xi32, #tpu.memory_space<vmem>> -> memref<256xi32, #tpu.memory_space<vmem>>
    %dma_start3A_63 = arith.constant 0 : i32
    %dma_start3A_64 = arith.constant 0 : i32
    %dma_start3A_65 = tpu.memref_slice %arg2[%dma_start3A_63, %dma_start3A_64] : memref<4096x128xf32, #tpu.memory_space<hbm>> -> memref<4096x128xf32, #tpu.memory_space<hbm>>
    tpu.enqueue_indirect_dma source(%dma_start3A_65 : memref<4096x128xf32, #tpu.memory_space<hbm>>) target(%dma_start3A_60 : memref<256x128xf32, #tpu.memory_space<vmem>>) offsets(%dma_start3A_62 : memref<256xi32, #tpu.memory_space<vmem>>) semaphore(%arg10 : memref<!tpu.dma_semaphore, #tpu.memory_space<semaphore_mem>>)
    %add3A_66 = arith.constant 512 : i32
    %add3A_67 = arith.addi %mul3A_2, %add3A_66 : i32
    "tpu.region"() ({
      %run_scoped3A_184 = tpu.sem_alloc : memref<!tpu.dma_semaphore, #tpu.memory_space<semaphore_mem>>
      %dma_start3A_185 = arith.constant 0 : i32
      %dma_start3A_186 = tpu.memref_slice %arg4[%add3A_67, %dma_start3A_185] : memref<65536x128xf32, #tpu.memory_space<hbm>> -> memref<256x128xf32, #tpu.memory_space<hbm>>
      %dma_start3A_187 = arith.constant 0 : i32
      %dma_start3A_188 = tpu.memref_slice %arg4[%add3A_67, %dma_start3A_187] : memref<65536x128xf32, #tpu.memory_space<hbm>> -> memref<256x128xf32, #tpu.memory_space<hbm>>
      tpu.enqueue_dma source(%dma_start3A_188 : memref<256x128xf32, #tpu.memory_space<hbm>>) target(%arg8 : memref<256x128xf32, #tpu.memory_space<vmem>>) target_semaphore(%run_scoped3A_184 : memref<!tpu.dma_semaphore, #tpu.memory_space<semaphore_mem>>)
      %dma_wait3A_189 = arith.constant 0 : i32
      %dma_wait3A_190 = tpu.memref_slice %arg4[%add3A_67, %dma_wait3A_189] : memref<65536x128xf32, #tpu.memory_space<hbm>> -> memref<256x128xf32, #tpu.memory_space<hbm>>
      %dma_wait3A_191 = arith.constant 0 : i32
      %dma_wait3A_192 = tpu.memref_slice %arg4[%add3A_67, %dma_wait3A_191] : memref<65536x128xf32, #tpu.memory_space<hbm>> -> memref<256x128xf32, #tpu.memory_space<hbm>>
      tpu.wait_dma2 semaphore(%run_scoped3A_184 : memref<!tpu.dma_semaphore, #tpu.memory_space<semaphore_mem>>) src(%dma_wait3A_192 : memref<256x128xf32, #tpu.memory_space<hbm>>) dst(%arg8 : memref<256x128xf32, #tpu.memory_space<vmem>>)
      tpu.yield
    }) : () -> ()
    "tpu.region"() ({
      %run_scoped3A_184 = tpu.sem_alloc : memref<!tpu.dma_semaphore, #tpu.memory_space<semaphore_mem>>
      %dma_start3A_185 = arith.constant 0 : i32
      %dma_start3A_186 = tpu.memref_slice %arg5[%add3A_67, %dma_start3A_185] : memref<65536x256xf32, #tpu.memory_space<hbm>> -> memref<256x128xf32, #tpu.memory_space<hbm>>
      %dma_start3A_187 = arith.constant 0 : i32
      %dma_start3A_188 = tpu.memref_slice %arg5[%add3A_67, %dma_start3A_187] : memref<65536x256xf32, #tpu.memory_space<hbm>> -> memref<256x128xf32, #tpu.memory_space<hbm>>
      tpu.enqueue_dma source(%arg8 : memref<256x128xf32, #tpu.memory_space<vmem>>) target(%dma_start3A_188 : memref<256x128xf32, #tpu.memory_space<hbm>>) target_semaphore(%run_scoped3A_184 : memref<!tpu.dma_semaphore, #tpu.memory_space<semaphore_mem>>)
      %dma_wait3A_189 = arith.constant 0 : i32
      %dma_wait3A_190 = tpu.memref_slice %arg5[%add3A_67, %dma_wait3A_189] : memref<65536x256xf32, #tpu.memory_space<hbm>> -> memref<256x128xf32, #tpu.memory_space<hbm>>
      %dma_wait3A_191 = arith.constant 0 : i32
      %dma_wait3A_192 = tpu.memref_slice %arg5[%add3A_67, %dma_wait3A_191] : memref<65536x256xf32, #tpu.memory_space<hbm>> -> memref<256x128xf32, #tpu.memory_space<hbm>>
      tpu.wait_dma2 semaphore(%run_scoped3A_184 : memref<!tpu.dma_semaphore, #tpu.memory_space<semaphore_mem>>) src(%arg8 : memref<256x128xf32, #tpu.memory_space<vmem>>) dst(%dma_wait3A_192 : memref<256x128xf32, #tpu.memory_space<hbm>>)
      tpu.yield
    }) : () -> ()
    %dma_wait3A_68 = arith.constant 0 : i32
    %dma_wait3A_69 = arith.constant 0 : i32
    %dma_wait3A_70 = arith.constant 0 : i32
    %dma_wait3A_71 = tpu.memref_slice %arg7[%dma_wait3A_68, %dma_wait3A_69, %dma_wait3A_70] : memref<2x256x128xf32, #tpu.memory_space<vmem>> -> memref<1x256x128xf32, #tpu.memory_space<vmem>>
    %dma_wait3A_72 = tpu.memref_squeeze %dma_wait3A_71 : memref<1x256x128xf32, #tpu.memory_space<vmem>> -> memref<256x128xf32, #tpu.memory_space<vmem>>
    %dma_wait3A_73 = arith.constant 512 : i32
    %dma_wait3A_74 = tpu.memref_slice %arg6[%dma_wait3A_73] : memref<2048xi32, #tpu.memory_space<vmem>> -> memref<256xi32, #tpu.memory_space<vmem>>
    %dma_wait3A_75 = arith.constant 0 : i32
    %dma_wait3A_76 = arith.constant 0 : i32
    %dma_wait3A_77 = tpu.memref_slice %arg2[%dma_wait3A_75, %dma_wait3A_76] : memref<4096x128xf32, #tpu.memory_space<hbm>> -> memref<4096x128xf32, #tpu.memory_space<hbm>>
    tpu.wait_indirect_dma semaphore(%arg9 : memref<!tpu.dma_semaphore, #tpu.memory_space<semaphore_mem>>) src(%dma_wait3A_77 : memref<4096x128xf32, #tpu.memory_space<hbm>>) dst(%dma_wait3A_72 : memref<256x128xf32, #tpu.memory_space<vmem>>)
    %run_scoped3A_78 = arith.constant 0 : i32
    "tpu.region"() ({
      %run_scoped3A_184 = tpu.sem_alloc : memref<!tpu.dma_semaphore, #tpu.memory_space<semaphore_mem>>
      %dma_start3A_185 = arith.constant 0 : i32
      %dma_start3A_186 = arith.constant 0 : i32
      %dma_start3A_187 = tpu.memref_slice %arg7[%run_scoped3A_78, %dma_start3A_185, %dma_start3A_186] : memref<2x256x128xf32, #tpu.memory_space<vmem>> -> memref<1x256x128xf32, #tpu.memory_space<vmem>>
      %dma_start3A_188 = tpu.memref_squeeze %dma_start3A_187 : memref<1x256x128xf32, #tpu.memory_space<vmem>> -> memref<256x128xf32, #tpu.memory_space<vmem>>
      %dma_start3A_189 = arith.constant 128 : i32
      %dma_start3A_190 = tpu.memref_slice %arg5[%add3A_67, %dma_start3A_189] : memref<65536x256xf32, #tpu.memory_space<hbm>> -> memref<256x128xf32, #tpu.memory_space<hbm>>
      %dma_start3A_191 = arith.constant 128 : i32
      %dma_start3A_192 = tpu.memref_slice %arg5[%add3A_67, %dma_start3A_191] : memref<65536x256xf32, #tpu.memory_space<hbm>> -> memref<256x128xf32, #tpu.memory_space<hbm>>
      %dma_start3A_193 = arith.constant 0 : i32
      %dma_start3A_194 = arith.constant 0 : i32
      %dma_start3A_195 = tpu.memref_slice %arg7[%run_scoped3A_78, %dma_start3A_193, %dma_start3A_194] : memref<2x256x128xf32, #tpu.memory_space<vmem>> -> memref<1x256x128xf32, #tpu.memory_space<vmem>>
      %dma_start3A_196 = tpu.memref_squeeze %dma_start3A_195 : memref<1x256x128xf32, #tpu.memory_space<vmem>> -> memref<256x128xf32, #tpu.memory_space<vmem>>
      tpu.enqueue_dma source(%dma_start3A_196 : memref<256x128xf32, #tpu.memory_space<vmem>>) target(%dma_start3A_192 : memref<256x128xf32, #tpu.memory_space<hbm>>) target_semaphore(%run_scoped3A_184 : memref<!tpu.dma_semaphore, #tpu.memory_space<semaphore_mem>>)
      %dma_wait3A_197 = arith.constant 0 : i32
      %dma_wait3A_198 = arith.constant 0 : i32
      %dma_wait3A_199 = tpu.memref_slice %arg7[%run_scoped3A_78, %dma_wait3A_197, %dma_wait3A_198] : memref<2x256x128xf32, #tpu.memory_space<vmem>> -> memref<1x256x128xf32, #tpu.memory_space<vmem>>
      %dma_wait3A_200 = tpu.memref_squeeze %dma_wait3A_199 : memref<1x256x128xf32, #tpu.memory_space<vmem>> -> memref<256x128xf32, #tpu.memory_space<vmem>>
      %dma_wait3A_201 = arith.constant 128 : i32
      %dma_wait3A_202 = tpu.memref_slice %arg5[%add3A_67, %dma_wait3A_201] : memref<65536x256xf32, #tpu.memory_space<hbm>> -> memref<256x128xf32, #tpu.memory_space<hbm>>
      %dma_wait3A_203 = arith.constant 128 : i32
      %dma_wait3A_204 = tpu.memref_slice %arg5[%add3A_67, %dma_wait3A_203] : memref<65536x256xf32, #tpu.memory_space<hbm>> -> memref<256x128xf32, #tpu.memory_space<hbm>>
      %dma_wait3A_205 = arith.constant 0 : i32
      %dma_wait3A_206 = arith.constant 0 : i32
      %dma_wait3A_207 = tpu.memref_slice %arg7[%run_scoped3A_78, %dma_wait3A_205, %dma_wait3A_206] : memref<2x256x128xf32, #tpu.memory_space<vmem>> -> memref<1x256x128xf32, #tpu.memory_space<vmem>>
      %dma_wait3A_208 = tpu.memref_squeeze %dma_wait3A_207 : memref<1x256x128xf32, #tpu.memory_space<vmem>> -> memref<256x128xf32, #tpu.memory_space<vmem>>
      tpu.wait_dma2 semaphore(%run_scoped3A_184 : memref<!tpu.dma_semaphore, #tpu.memory_space<semaphore_mem>>) src(%dma_wait3A_208 : memref<256x128xf32, #tpu.memory_space<vmem>>) dst(%dma_wait3A_204 : memref<256x128xf32, #tpu.memory_space<hbm>>)
      tpu.yield
    }) : () -> ()
    %dma_start3A_79 = arith.constant 0 : i32
    %dma_start3A_80 = arith.constant 0 : i32
    %dma_start3A_81 = arith.constant 0 : i32
    %dma_start3A_82 = tpu.memref_slice %arg7[%dma_start3A_79, %dma_start3A_80, %dma_start3A_81] : memref<2x256x128xf32, #tpu.memory_space<vmem>> -> memref<1x256x128xf32, #tpu.memory_space<vmem>>
    %dma_start3A_83 = tpu.memref_squeeze %dma_start3A_82 : memref<1x256x128xf32, #tpu.memory_space<vmem>> -> memref<256x128xf32, #tpu.memory_space<vmem>>
    %dma_start3A_84 = arith.constant 1024 : i32
    %dma_start3A_85 = tpu.memref_slice %arg6[%dma_start3A_84] : memref<2048xi32, #tpu.memory_space<vmem>> -> memref<256xi32, #tpu.memory_space<vmem>>
    %dma_start3A_86 = arith.constant 0 : i32
    %dma_start3A_87 = arith.constant 0 : i32
    %dma_start3A_88 = tpu.memref_slice %arg2[%dma_start3A_86, %dma_start3A_87] : memref<4096x128xf32, #tpu.memory_space<hbm>> -> memref<4096x128xf32, #tpu.memory_space<hbm>>
    tpu.enqueue_indirect_dma source(%dma_start3A_88 : memref<4096x128xf32, #tpu.memory_space<hbm>>) target(%dma_start3A_83 : memref<256x128xf32, #tpu.memory_space<vmem>>) offsets(%dma_start3A_85 : memref<256xi32, #tpu.memory_space<vmem>>) semaphore(%arg9 : memref<!tpu.dma_semaphore, #tpu.memory_space<semaphore_mem>>)
    %add3A_89 = arith.constant 768 : i32
    %add3A_90 = arith.addi %mul3A_2, %add3A_89 : i32
    "tpu.region"() ({
      %run_scoped3A_184 = tpu.sem_alloc : memref<!tpu.dma_semaphore, #tpu.memory_space<semaphore_mem>>
      %dma_start3A_185 = arith.constant 0 : i32
      %dma_start3A_186 = tpu.memref_slice %arg4[%add3A_90, %dma_start3A_185] : memref<65536x128xf32, #tpu.memory_space<hbm>> -> memref<256x128xf32, #tpu.memory_space<hbm>>
      %dma_start3A_187 = arith.constant 0 : i32
      %dma_start3A_188 = tpu.memref_slice %arg4[%add3A_90, %dma_start3A_187] : memref<65536x128xf32, #tpu.memory_space<hbm>> -> memref<256x128xf32, #tpu.memory_space<hbm>>
      tpu.enqueue_dma source(%dma_start3A_188 : memref<256x128xf32, #tpu.memory_space<hbm>>) target(%arg8 : memref<256x128xf32, #tpu.memory_space<vmem>>) target_semaphore(%run_scoped3A_184 : memref<!tpu.dma_semaphore, #tpu.memory_space<semaphore_mem>>)
      %dma_wait3A_189 = arith.constant 0 : i32
      %dma_wait3A_190 = tpu.memref_slice %arg4[%add3A_90, %dma_wait3A_189] : memref<65536x128xf32, #tpu.memory_space<hbm>> -> memref<256x128xf32, #tpu.memory_space<hbm>>
      %dma_wait3A_191 = arith.constant 0 : i32
      %dma_wait3A_192 = tpu.memref_slice %arg4[%add3A_90, %dma_wait3A_191] : memref<65536x128xf32, #tpu.memory_space<hbm>> -> memref<256x128xf32, #tpu.memory_space<hbm>>
      tpu.wait_dma2 semaphore(%run_scoped3A_184 : memref<!tpu.dma_semaphore, #tpu.memory_space<semaphore_mem>>) src(%dma_wait3A_192 : memref<256x128xf32, #tpu.memory_space<hbm>>) dst(%arg8 : memref<256x128xf32, #tpu.memory_space<vmem>>)
      tpu.yield
    }) : () -> ()
    "tpu.region"() ({
      %run_scoped3A_184 = tpu.sem_alloc : memref<!tpu.dma_semaphore, #tpu.memory_space<semaphore_mem>>
      %dma_start3A_185 = arith.constant 0 : i32
      %dma_start3A_186 = tpu.memref_slice %arg5[%add3A_90, %dma_start3A_185] : memref<65536x256xf32, #tpu.memory_space<hbm>> -> memref<256x128xf32, #tpu.memory_space<hbm>>
      %dma_start3A_187 = arith.constant 0 : i32
      %dma_start3A_188 = tpu.memref_slice %arg5[%add3A_90, %dma_start3A_187] : memref<65536x256xf32, #tpu.memory_space<hbm>> -> memref<256x128xf32, #tpu.memory_space<hbm>>
      tpu.enqueue_dma source(%arg8 : memref<256x128xf32, #tpu.memory_space<vmem>>) target(%dma_start3A_188 : memref<256x128xf32, #tpu.memory_space<hbm>>) target_semaphore(%run_scoped3A_184 : memref<!tpu.dma_semaphore, #tpu.memory_space<semaphore_mem>>)
      %dma_wait3A_189 = arith.constant 0 : i32
      %dma_wait3A_190 = tpu.memref_slice %arg5[%add3A_90, %dma_wait3A_189] : memref<65536x256xf32, #tpu.memory_space<hbm>> -> memref<256x128xf32, #tpu.memory_space<hbm>>
      %dma_wait3A_191 = arith.constant 0 : i32
      %dma_wait3A_192 = tpu.memref_slice %arg5[%add3A_90, %dma_wait3A_191] : memref<65536x256xf32, #tpu.memory_space<hbm>> -> memref<256x128xf32, #tpu.memory_space<hbm>>
      tpu.wait_dma2 semaphore(%run_scoped3A_184 : memref<!tpu.dma_semaphore, #tpu.memory_space<semaphore_mem>>) src(%arg8 : memref<256x128xf32, #tpu.memory_space<vmem>>) dst(%dma_wait3A_192 : memref<256x128xf32, #tpu.memory_space<hbm>>)
      tpu.yield
    }) : () -> ()
    %dma_wait3A_91 = arith.constant 1 : i32
    %dma_wait3A_92 = arith.constant 0 : i32
    %dma_wait3A_93 = arith.constant 0 : i32
    %dma_wait3A_94 = tpu.memref_slice %arg7[%dma_wait3A_91, %dma_wait3A_92, %dma_wait3A_93] : memref<2x256x128xf32, #tpu.memory_space<vmem>> -> memref<1x256x128xf32, #tpu.memory_space<vmem>>
    %dma_wait3A_95 = tpu.memref_squeeze %dma_wait3A_94 : memref<1x256x128xf32, #tpu.memory_space<vmem>> -> memref<256x128xf32, #tpu.memory_space<vmem>>
    %dma_wait3A_96 = arith.constant 768 : i32
    %dma_wait3A_97 = tpu.memref_slice %arg6[%dma_wait3A_96] : memref<2048xi32, #tpu.memory_space<vmem>> -> memref<256xi32, #tpu.memory_space<vmem>>
    %dma_wait3A_98 = arith.constant 0 : i32
    %dma_wait3A_99 = arith.constant 0 : i32
    %dma_wait3A_100 = tpu.memref_slice %arg2[%dma_wait3A_98, %dma_wait3A_99] : memref<4096x128xf32, #tpu.memory_space<hbm>> -> memref<4096x128xf32, #tpu.memory_space<hbm>>
    tpu.wait_indirect_dma semaphore(%arg10 : memref<!tpu.dma_semaphore, #tpu.memory_space<semaphore_mem>>) src(%dma_wait3A_100 : memref<4096x128xf32, #tpu.memory_space<hbm>>) dst(%dma_wait3A_95 : memref<256x128xf32, #tpu.memory_space<vmem>>)
    %run_scoped3A_101 = arith.constant 1 : i32
    "tpu.region"() ({
      %run_scoped3A_184 = tpu.sem_alloc : memref<!tpu.dma_semaphore, #tpu.memory_space<semaphore_mem>>
      %dma_start3A_185 = arith.constant 0 : i32
      %dma_start3A_186 = arith.constant 0 : i32
      %dma_start3A_187 = tpu.memref_slice %arg7[%run_scoped3A_101, %dma_start3A_185, %dma_start3A_186] : memref<2x256x128xf32, #tpu.memory_space<vmem>> -> memref<1x256x128xf32, #tpu.memory_space<vmem>>
      %dma_start3A_188 = tpu.memref_squeeze %dma_start3A_187 : memref<1x256x128xf32, #tpu.memory_space<vmem>> -> memref<256x128xf32, #tpu.memory_space<vmem>>
      %dma_start3A_189 = arith.constant 128 : i32
      %dma_start3A_190 = tpu.memref_slice %arg5[%add3A_90, %dma_start3A_189] : memref<65536x256xf32, #tpu.memory_space<hbm>> -> memref<256x128xf32, #tpu.memory_space<hbm>>
      %dma_start3A_191 = arith.constant 128 : i32
      %dma_start3A_192 = tpu.memref_slice %arg5[%add3A_90, %dma_start3A_191] : memref<65536x256xf32, #tpu.memory_space<hbm>> -> memref<256x128xf32, #tpu.memory_space<hbm>>
      %dma_start3A_193 = arith.constant 0 : i32
      %dma_start3A_194 = arith.constant 0 : i32
      %dma_start3A_195 = tpu.memref_slice %arg7[%run_scoped3A_101, %dma_start3A_193, %dma_start3A_194] : memref<2x256x128xf32, #tpu.memory_space<vmem>> -> memref<1x256x128xf32, #tpu.memory_space<vmem>>
      %dma_start3A_196 = tpu.memref_squeeze %dma_start3A_195 : memref<1x256x128xf32, #tpu.memory_space<vmem>> -> memref<256x128xf32, #tpu.memory_space<vmem>>
      tpu.enqueue_dma source(%dma_start3A_196 : memref<256x128xf32, #tpu.memory_space<vmem>>) target(%dma_start3A_192 : memref<256x128xf32, #tpu.memory_space<hbm>>) target_semaphore(%run_scoped3A_184 : memref<!tpu.dma_semaphore, #tpu.memory_space<semaphore_mem>>)
      %dma_wait3A_197 = arith.constant 0 : i32
      %dma_wait3A_198 = arith.constant 0 : i32
      %dma_wait3A_199 = tpu.memref_slice %arg7[%run_scoped3A_101, %dma_wait3A_197, %dma_wait3A_198] : memref<2x256x128xf32, #tpu.memory_space<vmem>> -> memref<1x256x128xf32, #tpu.memory_space<vmem>>
      %dma_wait3A_200 = tpu.memref_squeeze %dma_wait3A_199 : memref<1x256x128xf32, #tpu.memory_space<vmem>> -> memref<256x128xf32, #tpu.memory_space<vmem>>
      %dma_wait3A_201 = arith.constant 128 : i32
      %dma_wait3A_202 = tpu.memref_slice %arg5[%add3A_90, %dma_wait3A_201] : memref<65536x256xf32, #tpu.memory_space<hbm>> -> memref<256x128xf32, #tpu.memory_space<hbm>>
      %dma_wait3A_203 = arith.constant 128 : i32
      %dma_wait3A_204 = tpu.memref_slice %arg5[%add3A_90, %dma_wait3A_203] : memref<65536x256xf32, #tpu.memory_space<hbm>> -> memref<256x128xf32, #tpu.memory_space<hbm>>
      %dma_wait3A_205 = arith.constant 0 : i32
      %dma_wait3A_206 = arith.constant 0 : i32
      %dma_wait3A_207 = tpu.memref_slice %arg7[%run_scoped3A_101, %dma_wait3A_205, %dma_wait3A_206] : memref<2x256x128xf32, #tpu.memory_space<vmem>> -> memref<1x256x128xf32, #tpu.memory_space<vmem>>
      %dma_wait3A_208 = tpu.memref_squeeze %dma_wait3A_207 : memref<1x256x128xf32, #tpu.memory_space<vmem>> -> memref<256x128xf32, #tpu.memory_space<vmem>>
      tpu.wait_dma2 semaphore(%run_scoped3A_184 : memref<!tpu.dma_semaphore, #tpu.memory_space<semaphore_mem>>) src(%dma_wait3A_208 : memref<256x128xf32, #tpu.memory_space<vmem>>) dst(%dma_wait3A_204 : memref<256x128xf32, #tpu.memory_space<hbm>>)
      tpu.yield
    }) : () -> ()
    %dma_start3A_102 = arith.constant 1 : i32
    %dma_start3A_103 = arith.constant 0 : i32
    %dma_start3A_104 = arith.constant 0 : i32
    %dma_start3A_105 = tpu.memref_slice %arg7[%dma_start3A_102, %dma_start3A_103, %dma_start3A_104] : memref<2x256x128xf32, #tpu.memory_space<vmem>> -> memref<1x256x128xf32, #tpu.memory_space<vmem>>
    %dma_start3A_106 = tpu.memref_squeeze %dma_start3A_105 : memref<1x256x128xf32, #tpu.memory_space<vmem>> -> memref<256x128xf32, #tpu.memory_space<vmem>>
    %dma_start3A_107 = arith.constant 1280 : i32
    %dma_start3A_108 = tpu.memref_slice %arg6[%dma_start3A_107] : memref<2048xi32, #tpu.memory_space<vmem>> -> memref<256xi32, #tpu.memory_space<vmem>>
    %dma_start3A_109 = arith.constant 0 : i32
    %dma_start3A_110 = arith.constant 0 : i32
    %dma_start3A_111 = tpu.memref_slice %arg2[%dma_start3A_109, %dma_start3A_110] : memref<4096x128xf32, #tpu.memory_space<hbm>> -> memref<4096x128xf32, #tpu.memory_space<hbm>>
    tpu.enqueue_indirect_dma source(%dma_start3A_111 : memref<4096x128xf32, #tpu.memory_space<hbm>>) target(%dma_start3A_106 : memref<256x128xf32, #tpu.memory_space<vmem>>) offsets(%dma_start3A_108 : memref<256xi32, #tpu.memory_space<vmem>>) semaphore(%arg10 : memref<!tpu.dma_semaphore, #tpu.memory_space<semaphore_mem>>)
    %add3A_112 = arith.constant 1024 : i32
    %add3A_113 = arith.addi %mul3A_2, %add3A_112 : i32
    "tpu.region"() ({
      %run_scoped3A_184 = tpu.sem_alloc : memref<!tpu.dma_semaphore, #tpu.memory_space<semaphore_mem>>
      %dma_start3A_185 = arith.constant 0 : i32
      %dma_start3A_186 = tpu.memref_slice %arg4[%add3A_113, %dma_start3A_185] : memref<65536x128xf32, #tpu.memory_space<hbm>> -> memref<256x128xf32, #tpu.memory_space<hbm>>
      %dma_start3A_187 = arith.constant 0 : i32
      %dma_start3A_188 = tpu.memref_slice %arg4[%add3A_113, %dma_start3A_187] : memref<65536x128xf32, #tpu.memory_space<hbm>> -> memref<256x128xf32, #tpu.memory_space<hbm>>
      tpu.enqueue_dma source(%dma_start3A_188 : memref<256x128xf32, #tpu.memory_space<hbm>>) target(%arg8 : memref<256x128xf32, #tpu.memory_space<vmem>>) target_semaphore(%run_scoped3A_184 : memref<!tpu.dma_semaphore, #tpu.memory_space<semaphore_mem>>)
      %dma_wait3A_189 = arith.constant 0 : i32
      %dma_wait3A_190 = tpu.memref_slice %arg4[%add3A_113, %dma_wait3A_189] : memref<65536x128xf32, #tpu.memory_space<hbm>> -> memref<256x128xf32, #tpu.memory_space<hbm>>
      %dma_wait3A_191 = arith.constant 0 : i32
      %dma_wait3A_192 = tpu.memref_slice %arg4[%add3A_113, %dma_wait3A_191] : memref<65536x128xf32, #tpu.memory_space<hbm>> -> memref<256x128xf32, #tpu.memory_space<hbm>>
      tpu.wait_dma2 semaphore(%run_scoped3A_184 : memref<!tpu.dma_semaphore, #tpu.memory_space<semaphore_mem>>) src(%dma_wait3A_192 : memref<256x128xf32, #tpu.memory_space<hbm>>) dst(%arg8 : memref<256x128xf32, #tpu.memory_space<vmem>>)
      tpu.yield
    }) : () -> ()
    "tpu.region"() ({
      %run_scoped3A_184 = tpu.sem_alloc : memref<!tpu.dma_semaphore, #tpu.memory_space<semaphore_mem>>
      %dma_start3A_185 = arith.constant 0 : i32
      %dma_start3A_186 = tpu.memref_slice %arg5[%add3A_113, %dma_start3A_185] : memref<65536x256xf32, #tpu.memory_space<hbm>> -> memref<256x128xf32, #tpu.memory_space<hbm>>
      %dma_start3A_187 = arith.constant 0 : i32
      %dma_start3A_188 = tpu.memref_slice %arg5[%add3A_113, %dma_start3A_187] : memref<65536x256xf32, #tpu.memory_space<hbm>> -> memref<256x128xf32, #tpu.memory_space<hbm>>
      tpu.enqueue_dma source(%arg8 : memref<256x128xf32, #tpu.memory_space<vmem>>) target(%dma_start3A_188 : memref<256x128xf32, #tpu.memory_space<hbm>>) target_semaphore(%run_scoped3A_184 : memref<!tpu.dma_semaphore, #tpu.memory_space<semaphore_mem>>)
      %dma_wait3A_189 = arith.constant 0 : i32
      %dma_wait3A_190 = tpu.memref_slice %arg5[%add3A_113, %dma_wait3A_189] : memref<65536x256xf32, #tpu.memory_space<hbm>> -> memref<256x128xf32, #tpu.memory_space<hbm>>
      %dma_wait3A_191 = arith.constant 0 : i32
      %dma_wait3A_192 = tpu.memref_slice %arg5[%add3A_113, %dma_wait3A_191] : memref<65536x256xf32, #tpu.memory_space<hbm>> -> memref<256x128xf32, #tpu.memory_space<hbm>>
      tpu.wait_dma2 semaphore(%run_scoped3A_184 : memref<!tpu.dma_semaphore, #tpu.memory_space<semaphore_mem>>) src(%arg8 : memref<256x128xf32, #tpu.memory_space<vmem>>) dst(%dma_wait3A_192 : memref<256x128xf32, #tpu.memory_space<hbm>>)
      tpu.yield
    }) : () -> ()
    %dma_wait3A_114 = arith.constant 0 : i32
    %dma_wait3A_115 = arith.constant 0 : i32
    %dma_wait3A_116 = arith.constant 0 : i32
    %dma_wait3A_117 = tpu.memref_slice %arg7[%dma_wait3A_114, %dma_wait3A_115, %dma_wait3A_116] : memref<2x256x128xf32, #tpu.memory_space<vmem>> -> memref<1x256x128xf32, #tpu.memory_space<vmem>>
    %dma_wait3A_118 = tpu.memref_squeeze %dma_wait3A_117 : memref<1x256x128xf32, #tpu.memory_space<vmem>> -> memref<256x128xf32, #tpu.memory_space<vmem>>
    %dma_wait3A_119 = arith.constant 1024 : i32
    %dma_wait3A_120 = tpu.memref_slice %arg6[%dma_wait3A_119] : memref<2048xi32, #tpu.memory_space<vmem>> -> memref<256xi32, #tpu.memory_space<vmem>>
    %dma_wait3A_121 = arith.constant 0 : i32
    %dma_wait3A_122 = arith.constant 0 : i32
    %dma_wait3A_123 = tpu.memref_slice %arg2[%dma_wait3A_121, %dma_wait3A_122] : memref<4096x128xf32, #tpu.memory_space<hbm>> -> memref<4096x128xf32, #tpu.memory_space<hbm>>
    tpu.wait_indirect_dma semaphore(%arg9 : memref<!tpu.dma_semaphore, #tpu.memory_space<semaphore_mem>>) src(%dma_wait3A_123 : memref<4096x128xf32, #tpu.memory_space<hbm>>) dst(%dma_wait3A_118 : memref<256x128xf32, #tpu.memory_space<vmem>>)
    %run_scoped3A_124 = arith.constant 0 : i32
    "tpu.region"() ({
      %run_scoped3A_184 = tpu.sem_alloc : memref<!tpu.dma_semaphore, #tpu.memory_space<semaphore_mem>>
      %dma_start3A_185 = arith.constant 0 : i32
      %dma_start3A_186 = arith.constant 0 : i32
      %dma_start3A_187 = tpu.memref_slice %arg7[%run_scoped3A_124, %dma_start3A_185, %dma_start3A_186] : memref<2x256x128xf32, #tpu.memory_space<vmem>> -> memref<1x256x128xf32, #tpu.memory_space<vmem>>
      %dma_start3A_188 = tpu.memref_squeeze %dma_start3A_187 : memref<1x256x128xf32, #tpu.memory_space<vmem>> -> memref<256x128xf32, #tpu.memory_space<vmem>>
      %dma_start3A_189 = arith.constant 128 : i32
      %dma_start3A_190 = tpu.memref_slice %arg5[%add3A_113, %dma_start3A_189] : memref<65536x256xf32, #tpu.memory_space<hbm>> -> memref<256x128xf32, #tpu.memory_space<hbm>>
      %dma_start3A_191 = arith.constant 128 : i32
      %dma_start3A_192 = tpu.memref_slice %arg5[%add3A_113, %dma_start3A_191] : memref<65536x256xf32, #tpu.memory_space<hbm>> -> memref<256x128xf32, #tpu.memory_space<hbm>>
      %dma_start3A_193 = arith.constant 0 : i32
      %dma_start3A_194 = arith.constant 0 : i32
      %dma_start3A_195 = tpu.memref_slice %arg7[%run_scoped3A_124, %dma_start3A_193, %dma_start3A_194] : memref<2x256x128xf32, #tpu.memory_space<vmem>> -> memref<1x256x128xf32, #tpu.memory_space<vmem>>
      %dma_start3A_196 = tpu.memref_squeeze %dma_start3A_195 : memref<1x256x128xf32, #tpu.memory_space<vmem>> -> memref<256x128xf32, #tpu.memory_space<vmem>>
      tpu.enqueue_dma source(%dma_start3A_196 : memref<256x128xf32, #tpu.memory_space<vmem>>) target(%dma_start3A_192 : memref<256x128xf32, #tpu.memory_space<hbm>>) target_semaphore(%run_scoped3A_184 : memref<!tpu.dma_semaphore, #tpu.memory_space<semaphore_mem>>)
      %dma_wait3A_197 = arith.constant 0 : i32
      %dma_wait3A_198 = arith.constant 0 : i32
      %dma_wait3A_199 = tpu.memref_slice %arg7[%run_scoped3A_124, %dma_wait3A_197, %dma_wait3A_198] : memref<2x256x128xf32, #tpu.memory_space<vmem>> -> memref<1x256x128xf32, #tpu.memory_space<vmem>>
      %dma_wait3A_200 = tpu.memref_squeeze %dma_wait3A_199 : memref<1x256x128xf32, #tpu.memory_space<vmem>> -> memref<256x128xf32, #tpu.memory_space<vmem>>
      %dma_wait3A_201 = arith.constant 128 : i32
      %dma_wait3A_202 = tpu.memref_slice %arg5[%add3A_113, %dma_wait3A_201] : memref<65536x256xf32, #tpu.memory_space<hbm>> -> memref<256x128xf32, #tpu.memory_space<hbm>>
      %dma_wait3A_203 = arith.constant 128 : i32
      %dma_wait3A_204 = tpu.memref_slice %arg5[%add3A_113, %dma_wait3A_203] : memref<65536x256xf32, #tpu.memory_space<hbm>> -> memref<256x128xf32, #tpu.memory_space<hbm>>
      %dma_wait3A_205 = arith.constant 0 : i32
      %dma_wait3A_206 = arith.constant 0 : i32
      %dma_wait3A_207 = tpu.memref_slice %arg7[%run_scoped3A_124, %dma_wait3A_205, %dma_wait3A_206] : memref<2x256x128xf32, #tpu.memory_space<vmem>> -> memref<1x256x128xf32, #tpu.memory_space<vmem>>
      %dma_wait3A_208 = tpu.memref_squeeze %dma_wait3A_207 : memref<1x256x128xf32, #tpu.memory_space<vmem>> -> memref<256x128xf32, #tpu.memory_space<vmem>>
      tpu.wait_dma2 semaphore(%run_scoped3A_184 : memref<!tpu.dma_semaphore, #tpu.memory_space<semaphore_mem>>) src(%dma_wait3A_208 : memref<256x128xf32, #tpu.memory_space<vmem>>) dst(%dma_wait3A_204 : memref<256x128xf32, #tpu.memory_space<hbm>>)
      tpu.yield
    }) : () -> ()
    %dma_start3A_125 = arith.constant 0 : i32
    %dma_start3A_126 = arith.constant 0 : i32
    %dma_start3A_127 = arith.constant 0 : i32
    %dma_start3A_128 = tpu.memref_slice %arg7[%dma_start3A_125, %dma_start3A_126, %dma_start3A_127] : memref<2x256x128xf32, #tpu.memory_space<vmem>> -> memref<1x256x128xf32, #tpu.memory_space<vmem>>
    %dma_start3A_129 = tpu.memref_squeeze %dma_start3A_128 : memref<1x256x128xf32, #tpu.memory_space<vmem>> -> memref<256x128xf32, #tpu.memory_space<vmem>>
    %dma_start3A_130 = arith.constant 1536 : i32
    %dma_start3A_131 = tpu.memref_slice %arg6[%dma_start3A_130] : memref<2048xi32, #tpu.memory_space<vmem>> -> memref<256xi32, #tpu.memory_space<vmem>>
    %dma_start3A_132 = arith.constant 0 : i32
    %dma_start3A_133 = arith.constant 0 : i32
    %dma_start3A_134 = tpu.memref_slice %arg2[%dma_start3A_132, %dma_start3A_133] : memref<4096x128xf32, #tpu.memory_space<hbm>> -> memref<4096x128xf32, #tpu.memory_space<hbm>>
    tpu.enqueue_indirect_dma source(%dma_start3A_134 : memref<4096x128xf32, #tpu.memory_space<hbm>>) target(%dma_start3A_129 : memref<256x128xf32, #tpu.memory_space<vmem>>) offsets(%dma_start3A_131 : memref<256xi32, #tpu.memory_space<vmem>>) semaphore(%arg9 : memref<!tpu.dma_semaphore, #tpu.memory_space<semaphore_mem>>)
    %add3A_135 = arith.constant 1280 : i32
    %add3A_136 = arith.addi %mul3A_2, %add3A_135 : i32
    "tpu.region"() ({
      %run_scoped3A_184 = tpu.sem_alloc : memref<!tpu.dma_semaphore, #tpu.memory_space<semaphore_mem>>
      %dma_start3A_185 = arith.constant 0 : i32
      %dma_start3A_186 = tpu.memref_slice %arg4[%add3A_136, %dma_start3A_185] : memref<65536x128xf32, #tpu.memory_space<hbm>> -> memref<256x128xf32, #tpu.memory_space<hbm>>
      %dma_start3A_187 = arith.constant 0 : i32
      %dma_start3A_188 = tpu.memref_slice %arg4[%add3A_136, %dma_start3A_187] : memref<65536x128xf32, #tpu.memory_space<hbm>> -> memref<256x128xf32, #tpu.memory_space<hbm>>
      tpu.enqueue_dma source(%dma_start3A_188 : memref<256x128xf32, #tpu.memory_space<hbm>>) target(%arg8 : memref<256x128xf32, #tpu.memory_space<vmem>>) target_semaphore(%run_scoped3A_184 : memref<!tpu.dma_semaphore, #tpu.memory_space<semaphore_mem>>)
      %dma_wait3A_189 = arith.constant 0 : i32
      %dma_wait3A_190 = tpu.memref_slice %arg4[%add3A_136, %dma_wait3A_189] : memref<65536x128xf32, #tpu.memory_space<hbm>> -> memref<256x128xf32, #tpu.memory_space<hbm>>
      %dma_wait3A_191 = arith.constant 0 : i32
      %dma_wait3A_192 = tpu.memref_slice %arg4[%add3A_136, %dma_wait3A_191] : memref<65536x128xf32, #tpu.memory_space<hbm>> -> memref<256x128xf32, #tpu.memory_space<hbm>>
      tpu.wait_dma2 semaphore(%run_scoped3A_184 : memref<!tpu.dma_semaphore, #tpu.memory_space<semaphore_mem>>) src(%dma_wait3A_192 : memref<256x128xf32, #tpu.memory_space<hbm>>) dst(%arg8 : memref<256x128xf32, #tpu.memory_space<vmem>>)
      tpu.yield
    }) : () -> ()
    "tpu.region"() ({
      %run_scoped3A_184 = tpu.sem_alloc : memref<!tpu.dma_semaphore, #tpu.memory_space<semaphore_mem>>
      %dma_start3A_185 = arith.constant 0 : i32
      %dma_start3A_186 = tpu.memref_slice %arg5[%add3A_136, %dma_start3A_185] : memref<65536x256xf32, #tpu.memory_space<hbm>> -> memref<256x128xf32, #tpu.memory_space<hbm>>
      %dma_start3A_187 = arith.constant 0 : i32
      %dma_start3A_188 = tpu.memref_slice %arg5[%add3A_136, %dma_start3A_187] : memref<65536x256xf32, #tpu.memory_space<hbm>> -> memref<256x128xf32, #tpu.memory_space<hbm>>
      tpu.enqueue_dma source(%arg8 : memref<256x128xf32, #tpu.memory_space<vmem>>) target(%dma_start3A_188 : memref<256x128xf32, #tpu.memory_space<hbm>>) target_semaphore(%run_scoped3A_184 : memref<!tpu.dma_semaphore, #tpu.memory_space<semaphore_mem>>)
      %dma_wait3A_189 = arith.constant 0 : i32
      %dma_wait3A_190 = tpu.memref_slice %arg5[%add3A_136, %dma_wait3A_189] : memref<65536x256xf32, #tpu.memory_space<hbm>> -> memref<256x128xf32, #tpu.memory_space<hbm>>
      %dma_wait3A_191 = arith.constant 0 : i32
      %dma_wait3A_192 = tpu.memref_slice %arg5[%add3A_136, %dma_wait3A_191] : memref<65536x256xf32, #tpu.memory_space<hbm>> -> memref<256x128xf32, #tpu.memory_space<hbm>>
      tpu.wait_dma2 semaphore(%run_scoped3A_184 : memref<!tpu.dma_semaphore, #tpu.memory_space<semaphore_mem>>) src(%arg8 : memref<256x128xf32, #tpu.memory_space<vmem>>) dst(%dma_wait3A_192 : memref<256x128xf32, #tpu.memory_space<hbm>>)
      tpu.yield
    }) : () -> ()
    %dma_wait3A_137 = arith.constant 1 : i32
    %dma_wait3A_138 = arith.constant 0 : i32
    %dma_wait3A_139 = arith.constant 0 : i32
    %dma_wait3A_140 = tpu.memref_slice %arg7[%dma_wait3A_137, %dma_wait3A_138, %dma_wait3A_139] : memref<2x256x128xf32, #tpu.memory_space<vmem>> -> memref<1x256x128xf32, #tpu.memory_space<vmem>>
    %dma_wait3A_141 = tpu.memref_squeeze %dma_wait3A_140 : memref<1x256x128xf32, #tpu.memory_space<vmem>> -> memref<256x128xf32, #tpu.memory_space<vmem>>
    %dma_wait3A_142 = arith.constant 1280 : i32
    %dma_wait3A_143 = tpu.memref_slice %arg6[%dma_wait3A_142] : memref<2048xi32, #tpu.memory_space<vmem>> -> memref<256xi32, #tpu.memory_space<vmem>>
    %dma_wait3A_144 = arith.constant 0 : i32
    %dma_wait3A_145 = arith.constant 0 : i32
    %dma_wait3A_146 = tpu.memref_slice %arg2[%dma_wait3A_144, %dma_wait3A_145] : memref<4096x128xf32, #tpu.memory_space<hbm>> -> memref<4096x128xf32, #tpu.memory_space<hbm>>
    tpu.wait_indirect_dma semaphore(%arg10 : memref<!tpu.dma_semaphore, #tpu.memory_space<semaphore_mem>>) src(%dma_wait3A_146 : memref<4096x128xf32, #tpu.memory_space<hbm>>) dst(%dma_wait3A_141 : memref<256x128xf32, #tpu.memory_space<vmem>>)
    %run_scoped3A_147 = arith.constant 1 : i32
    "tpu.region"() ({
      %run_scoped3A_184 = tpu.sem_alloc : memref<!tpu.dma_semaphore, #tpu.memory_space<semaphore_mem>>
      %dma_start3A_185 = arith.constant 0 : i32
      %dma_start3A_186 = arith.constant 0 : i32
      %dma_start3A_187 = tpu.memref_slice %arg7[%run_scoped3A_147, %dma_start3A_185, %dma_start3A_186] : memref<2x256x128xf32, #tpu.memory_space<vmem>> -> memref<1x256x128xf32, #tpu.memory_space<vmem>>
      %dma_start3A_188 = tpu.memref_squeeze %dma_start3A_187 : memref<1x256x128xf32, #tpu.memory_space<vmem>> -> memref<256x128xf32, #tpu.memory_space<vmem>>
      %dma_start3A_189 = arith.constant 128 : i32
      %dma_start3A_190 = tpu.memref_slice %arg5[%add3A_136, %dma_start3A_189] : memref<65536x256xf32, #tpu.memory_space<hbm>> -> memref<256x128xf32, #tpu.memory_space<hbm>>
      %dma_start3A_191 = arith.constant 128 : i32
      %dma_start3A_192 = tpu.memref_slice %arg5[%add3A_136, %dma_start3A_191] : memref<65536x256xf32, #tpu.memory_space<hbm>> -> memref<256x128xf32, #tpu.memory_space<hbm>>
      %dma_start3A_193 = arith.constant 0 : i32
      %dma_start3A_194 = arith.constant 0 : i32
      %dma_start3A_195 = tpu.memref_slice %arg7[%run_scoped3A_147, %dma_start3A_193, %dma_start3A_194] : memref<2x256x128xf32, #tpu.memory_space<vmem>> -> memref<1x256x128xf32, #tpu.memory_space<vmem>>
      %dma_start3A_196 = tpu.memref_squeeze %dma_start3A_195 : memref<1x256x128xf32, #tpu.memory_space<vmem>> -> memref<256x128xf32, #tpu.memory_space<vmem>>
      tpu.enqueue_dma source(%dma_start3A_196 : memref<256x128xf32, #tpu.memory_space<vmem>>) target(%dma_start3A_192 : memref<256x128xf32, #tpu.memory_space<hbm>>) target_semaphore(%run_scoped3A_184 : memref<!tpu.dma_semaphore, #tpu.memory_space<semaphore_mem>>)
      %dma_wait3A_197 = arith.constant 0 : i32
      %dma_wait3A_198 = arith.constant 0 : i32
      %dma_wait3A_199 = tpu.memref_slice %arg7[%run_scoped3A_147, %dma_wait3A_197, %dma_wait3A_198] : memref<2x256x128xf32, #tpu.memory_space<vmem>> -> memref<1x256x128xf32, #tpu.memory_space<vmem>>
      %dma_wait3A_200 = tpu.memref_squeeze %dma_wait3A_199 : memref<1x256x128xf32, #tpu.memory_space<vmem>> -> memref<256x128xf32, #tpu.memory_space<vmem>>
      %dma_wait3A_201 = arith.constant 128 : i32
      %dma_wait3A_202 = tpu.memref_slice %arg5[%add3A_136, %dma_wait3A_201] : memref<65536x256xf32, #tpu.memory_space<hbm>> -> memref<256x128xf32, #tpu.memory_space<hbm>>
      %dma_wait3A_203 = arith.constant 128 : i32
      %dma_wait3A_204 = tpu.memref_slice %arg5[%add3A_136, %dma_wait3A_203] : memref<65536x256xf32, #tpu.memory_space<hbm>> -> memref<256x128xf32, #tpu.memory_space<hbm>>
      %dma_wait3A_205 = arith.constant 0 : i32
      %dma_wait3A_206 = arith.constant 0 : i32
      %dma_wait3A_207 = tpu.memref_slice %arg7[%run_scoped3A_147, %dma_wait3A_205, %dma_wait3A_206] : memref<2x256x128xf32, #tpu.memory_space<vmem>> -> memref<1x256x128xf32, #tpu.memory_space<vmem>>
      %dma_wait3A_208 = tpu.memref_squeeze %dma_wait3A_207 : memref<1x256x128xf32, #tpu.memory_space<vmem>> -> memref<256x128xf32, #tpu.memory_space<vmem>>
      tpu.wait_dma2 semaphore(%run_scoped3A_184 : memref<!tpu.dma_semaphore, #tpu.memory_space<semaphore_mem>>) src(%dma_wait3A_208 : memref<256x128xf32, #tpu.memory_space<vmem>>) dst(%dma_wait3A_204 : memref<256x128xf32, #tpu.memory_space<hbm>>)
      tpu.yield
    }) : () -> ()
    %dma_start3A_148 = arith.constant 1 : i32
    %dma_start3A_149 = arith.constant 0 : i32
    %dma_start3A_150 = arith.constant 0 : i32
    %dma_start3A_151 = tpu.memref_slice %arg7[%dma_start3A_148, %dma_start3A_149, %dma_start3A_150] : memref<2x256x128xf32, #tpu.memory_space<vmem>> -> memref<1x256x128xf32, #tpu.memory_space<vmem>>
    %dma_start3A_152 = tpu.memref_squeeze %dma_start3A_151 : memref<1x256x128xf32, #tpu.memory_space<vmem>> -> memref<256x128xf32, #tpu.memory_space<vmem>>
    %dma_start3A_153 = arith.constant 1792 : i32
    %dma_start3A_154 = tpu.memref_slice %arg6[%dma_start3A_153] : memref<2048xi32, #tpu.memory_space<vmem>> -> memref<256xi32, #tpu.memory_space<vmem>>
    %dma_start3A_155 = arith.constant 0 : i32
    %dma_start3A_156 = arith.constant 0 : i32
    %dma_start3A_157 = tpu.memref_slice %arg2[%dma_start3A_155, %dma_start3A_156] : memref<4096x128xf32, #tpu.memory_space<hbm>> -> memref<4096x128xf32, #tpu.memory_space<hbm>>
    tpu.enqueue_indirect_dma source(%dma_start3A_157 : memref<4096x128xf32, #tpu.memory_space<hbm>>) target(%dma_start3A_152 : memref<256x128xf32, #tpu.memory_space<vmem>>) offsets(%dma_start3A_154 : memref<256xi32, #tpu.memory_space<vmem>>) semaphore(%arg10 : memref<!tpu.dma_semaphore, #tpu.memory_space<semaphore_mem>>)
    %add3A_158 = arith.constant 1536 : i32
    %add3A_159 = arith.addi %mul3A_2, %add3A_158 : i32
    "tpu.region"() ({
      %run_scoped3A_184 = tpu.sem_alloc : memref<!tpu.dma_semaphore, #tpu.memory_space<semaphore_mem>>
      %dma_start3A_185 = arith.constant 0 : i32
      %dma_start3A_186 = tpu.memref_slice %arg4[%add3A_159, %dma_start3A_185] : memref<65536x128xf32, #tpu.memory_space<hbm>> -> memref<256x128xf32, #tpu.memory_space<hbm>>
      %dma_start3A_187 = arith.constant 0 : i32
      %dma_start3A_188 = tpu.memref_slice %arg4[%add3A_159, %dma_start3A_187] : memref<65536x128xf32, #tpu.memory_space<hbm>> -> memref<256x128xf32, #tpu.memory_space<hbm>>
      tpu.enqueue_dma source(%dma_start3A_188 : memref<256x128xf32, #tpu.memory_space<hbm>>) target(%arg8 : memref<256x128xf32, #tpu.memory_space<vmem>>) target_semaphore(%run_scoped3A_184 : memref<!tpu.dma_semaphore, #tpu.memory_space<semaphore_mem>>)
      %dma_wait3A_189 = arith.constant 0 : i32
      %dma_wait3A_190 = tpu.memref_slice %arg4[%add3A_159, %dma_wait3A_189] : memref<65536x128xf32, #tpu.memory_space<hbm>> -> memref<256x128xf32, #tpu.memory_space<hbm>>
      %dma_wait3A_191 = arith.constant 0 : i32
      %dma_wait3A_192 = tpu.memref_slice %arg4[%add3A_159, %dma_wait3A_191] : memref<65536x128xf32, #tpu.memory_space<hbm>> -> memref<256x128xf32, #tpu.memory_space<hbm>>
      tpu.wait_dma2 semaphore(%run_scoped3A_184 : memref<!tpu.dma_semaphore, #tpu.memory_space<semaphore_mem>>) src(%dma_wait3A_192 : memref<256x128xf32, #tpu.memory_space<hbm>>) dst(%arg8 : memref<256x128xf32, #tpu.memory_space<vmem>>)
      tpu.yield
    }) : () -> ()
    "tpu.region"() ({
      %run_scoped3A_184 = tpu.sem_alloc : memref<!tpu.dma_semaphore, #tpu.memory_space<semaphore_mem>>
      %dma_start3A_185 = arith.constant 0 : i32
      %dma_start3A_186 = tpu.memref_slice %arg5[%add3A_159, %dma_start3A_185] : memref<65536x256xf32, #tpu.memory_space<hbm>> -> memref<256x128xf32, #tpu.memory_space<hbm>>
      %dma_start3A_187 = arith.constant 0 : i32
      %dma_start3A_188 = tpu.memref_slice %arg5[%add3A_159, %dma_start3A_187] : memref<65536x256xf32, #tpu.memory_space<hbm>> -> memref<256x128xf32, #tpu.memory_space<hbm>>
      tpu.enqueue_dma source(%arg8 : memref<256x128xf32, #tpu.memory_space<vmem>>) target(%dma_start3A_188 : memref<256x128xf32, #tpu.memory_space<hbm>>) target_semaphore(%run_scoped3A_184 : memref<!tpu.dma_semaphore, #tpu.memory_space<semaphore_mem>>)
      %dma_wait3A_189 = arith.constant 0 : i32
      %dma_wait3A_190 = tpu.memref_slice %arg5[%add3A_159, %dma_wait3A_189] : memref<65536x256xf32, #tpu.memory_space<hbm>> -> memref<256x128xf32, #tpu.memory_space<hbm>>
      %dma_wait3A_191 = arith.constant 0 : i32
      %dma_wait3A_192 = tpu.memref_slice %arg5[%add3A_159, %dma_wait3A_191] : memref<65536x256xf32, #tpu.memory_space<hbm>> -> memref<256x128xf32, #tpu.memory_space<hbm>>
      tpu.wait_dma2 semaphore(%run_scoped3A_184 : memref<!tpu.dma_semaphore, #tpu.memory_space<semaphore_mem>>) src(%arg8 : memref<256x128xf32, #tpu.memory_space<vmem>>) dst(%dma_wait3A_192 : memref<256x128xf32, #tpu.memory_space<hbm>>)
      tpu.yield
    }) : () -> ()
    %dma_wait3A_160 = arith.constant 0 : i32
    %dma_wait3A_161 = arith.constant 0 : i32
    %dma_wait3A_162 = arith.constant 0 : i32
    %dma_wait3A_163 = tpu.memref_slice %arg7[%dma_wait3A_160, %dma_wait3A_161, %dma_wait3A_162] : memref<2x256x128xf32, #tpu.memory_space<vmem>> -> memref<1x256x128xf32, #tpu.memory_space<vmem>>
    %dma_wait3A_164 = tpu.memref_squeeze %dma_wait3A_163 : memref<1x256x128xf32, #tpu.memory_space<vmem>> -> memref<256x128xf32, #tpu.memory_space<vmem>>
    %dma_wait3A_165 = arith.constant 1536 : i32
    %dma_wait3A_166 = tpu.memref_slice %arg6[%dma_wait3A_165] : memref<2048xi32, #tpu.memory_space<vmem>> -> memref<256xi32, #tpu.memory_space<vmem>>
    %dma_wait3A_167 = arith.constant 0 : i32
    %dma_wait3A_168 = arith.constant 0 : i32
    %dma_wait3A_169 = tpu.memref_slice %arg2[%dma_wait3A_167, %dma_wait3A_168] : memref<4096x128xf32, #tpu.memory_space<hbm>> -> memref<4096x128xf32, #tpu.memory_space<hbm>>
    tpu.wait_indirect_dma semaphore(%arg9 : memref<!tpu.dma_semaphore, #tpu.memory_space<semaphore_mem>>) src(%dma_wait3A_169 : memref<4096x128xf32, #tpu.memory_space<hbm>>) dst(%dma_wait3A_164 : memref<256x128xf32, #tpu.memory_space<vmem>>)
    %run_scoped3A_170 = arith.constant 0 : i32
    "tpu.region"() ({
      %run_scoped3A_184 = tpu.sem_alloc : memref<!tpu.dma_semaphore, #tpu.memory_space<semaphore_mem>>
      %dma_start3A_185 = arith.constant 0 : i32
      %dma_start3A_186 = arith.constant 0 : i32
      %dma_start3A_187 = tpu.memref_slice %arg7[%run_scoped3A_170, %dma_start3A_185, %dma_start3A_186] : memref<2x256x128xf32, #tpu.memory_space<vmem>> -> memref<1x256x128xf32, #tpu.memory_space<vmem>>
      %dma_start3A_188 = tpu.memref_squeeze %dma_start3A_187 : memref<1x256x128xf32, #tpu.memory_space<vmem>> -> memref<256x128xf32, #tpu.memory_space<vmem>>
      %dma_start3A_189 = arith.constant 128 : i32
      %dma_start3A_190 = tpu.memref_slice %arg5[%add3A_159, %dma_start3A_189] : memref<65536x256xf32, #tpu.memory_space<hbm>> -> memref<256x128xf32, #tpu.memory_space<hbm>>
      %dma_start3A_191 = arith.constant 128 : i32
      %dma_start3A_192 = tpu.memref_slice %arg5[%add3A_159, %dma_start3A_191] : memref<65536x256xf32, #tpu.memory_space<hbm>> -> memref<256x128xf32, #tpu.memory_space<hbm>>
      %dma_start3A_193 = arith.constant 0 : i32
      %dma_start3A_194 = arith.constant 0 : i32
      %dma_start3A_195 = tpu.memref_slice %arg7[%run_scoped3A_170, %dma_start3A_193, %dma_start3A_194] : memref<2x256x128xf32, #tpu.memory_space<vmem>> -> memref<1x256x128xf32, #tpu.memory_space<vmem>>
      %dma_start3A_196 = tpu.memref_squeeze %dma_start3A_195 : memref<1x256x128xf32, #tpu.memory_space<vmem>> -> memref<256x128xf32, #tpu.memory_space<vmem>>
      tpu.enqueue_dma source(%dma_start3A_196 : memref<256x128xf32, #tpu.memory_space<vmem>>) target(%dma_start3A_192 : memref<256x128xf32, #tpu.memory_space<hbm>>) target_semaphore(%run_scoped3A_184 : memref<!tpu.dma_semaphore, #tpu.memory_space<semaphore_mem>>)
      %dma_wait3A_197 = arith.constant 0 : i32
      %dma_wait3A_198 = arith.constant 0 : i32
      %dma_wait3A_199 = tpu.memref_slice %arg7[%run_scoped3A_170, %dma_wait3A_197, %dma_wait3A_198] : memref<2x256x128xf32, #tpu.memory_space<vmem>> -> memref<1x256x128xf32, #tpu.memory_space<vmem>>
      %dma_wait3A_200 = tpu.memref_squeeze %dma_wait3A_199 : memref<1x256x128xf32, #tpu.memory_space<vmem>> -> memref<256x128xf32, #tpu.memory_space<vmem>>
      %dma_wait3A_201 = arith.constant 128 : i32
      %dma_wait3A_202 = tpu.memref_slice %arg5[%add3A_159, %dma_wait3A_201] : memref<65536x256xf32, #tpu.memory_space<hbm>> -> memref<256x128xf32, #tpu.memory_space<hbm>>
      %dma_wait3A_203 = arith.constant 128 : i32
      %dma_wait3A_204 = tpu.memref_slice %arg5[%add3A_159, %dma_wait3A_203] : memref<65536x256xf32, #tpu.memory_space<hbm>> -> memref<256x128xf32, #tpu.memory_space<hbm>>
      %dma_wait3A_205 = arith.constant 0 : i32
      %dma_wait3A_206 = arith.constant 0 : i32
      %dma_wait3A_207 = tpu.memref_slice %arg7[%run_scoped3A_170, %dma_wait3A_205, %dma_wait3A_206] : memref<2x256x128xf32, #tpu.memory_space<vmem>> -> memref<1x256x128xf32, #tpu.memory_space<vmem>>
      %dma_wait3A_208 = tpu.memref_squeeze %dma_wait3A_207 : memref<1x256x128xf32, #tpu.memory_space<vmem>> -> memref<256x128xf32, #tpu.memory_space<vmem>>
      tpu.wait_dma2 semaphore(%run_scoped3A_184 : memref<!tpu.dma_semaphore, #tpu.memory_space<semaphore_mem>>) src(%dma_wait3A_208 : memref<256x128xf32, #tpu.memory_space<vmem>>) dst(%dma_wait3A_204 : memref<256x128xf32, #tpu.memory_space<hbm>>)
      tpu.yield
    }) : () -> ()
    %add3A_171 = arith.constant 1792 : i32
    %add3A_172 = arith.addi %mul3A_2, %add3A_171 : i32
    "tpu.region"() ({
      %run_scoped3A_184 = tpu.sem_alloc : memref<!tpu.dma_semaphore, #tpu.memory_space<semaphore_mem>>
      %dma_start3A_185 = arith.constant 0 : i32
      %dma_start3A_186 = tpu.memref_slice %arg4[%add3A_172, %dma_start3A_185] : memref<65536x128xf32, #tpu.memory_space<hbm>> -> memref<256x128xf32, #tpu.memory_space<hbm>>
      %dma_start3A_187 = arith.constant 0 : i32
      %dma_start3A_188 = tpu.memref_slice %arg4[%add3A_172, %dma_start3A_187] : memref<65536x128xf32, #tpu.memory_space<hbm>> -> memref<256x128xf32, #tpu.memory_space<hbm>>
      tpu.enqueue_dma source(%dma_start3A_188 : memref<256x128xf32, #tpu.memory_space<hbm>>) target(%arg8 : memref<256x128xf32, #tpu.memory_space<vmem>>) target_semaphore(%run_scoped3A_184 : memref<!tpu.dma_semaphore, #tpu.memory_space<semaphore_mem>>)
      %dma_wait3A_189 = arith.constant 0 : i32
      %dma_wait3A_190 = tpu.memref_slice %arg4[%add3A_172, %dma_wait3A_189] : memref<65536x128xf32, #tpu.memory_space<hbm>> -> memref<256x128xf32, #tpu.memory_space<hbm>>
      %dma_wait3A_191 = arith.constant 0 : i32
      %dma_wait3A_192 = tpu.memref_slice %arg4[%add3A_172, %dma_wait3A_191] : memref<65536x128xf32, #tpu.memory_space<hbm>> -> memref<256x128xf32, #tpu.memory_space<hbm>>
      tpu.wait_dma2 semaphore(%run_scoped3A_184 : memref<!tpu.dma_semaphore, #tpu.memory_space<semaphore_mem>>) src(%dma_wait3A_192 : memref<256x128xf32, #tpu.memory_space<hbm>>) dst(%arg8 : memref<256x128xf32, #tpu.memory_space<vmem>>)
      tpu.yield
    }) : () -> ()
    "tpu.region"() ({
      %run_scoped3A_184 = tpu.sem_alloc : memref<!tpu.dma_semaphore, #tpu.memory_space<semaphore_mem>>
      %dma_start3A_185 = arith.constant 0 : i32
      %dma_start3A_186 = tpu.memref_slice %arg5[%add3A_172, %dma_start3A_185] : memref<65536x256xf32, #tpu.memory_space<hbm>> -> memref<256x128xf32, #tpu.memory_space<hbm>>
      %dma_start3A_187 = arith.constant 0 : i32
      %dma_start3A_188 = tpu.memref_slice %arg5[%add3A_172, %dma_start3A_187] : memref<65536x256xf32, #tpu.memory_space<hbm>> -> memref<256x128xf32, #tpu.memory_space<hbm>>
      tpu.enqueue_dma source(%arg8 : memref<256x128xf32, #tpu.memory_space<vmem>>) target(%dma_start3A_188 : memref<256x128xf32, #tpu.memory_space<hbm>>) target_semaphore(%run_scoped3A_184 : memref<!tpu.dma_semaphore, #tpu.memory_space<semaphore_mem>>)
      %dma_wait3A_189 = arith.constant 0 : i32
      %dma_wait3A_190 = tpu.memref_slice %arg5[%add3A_172, %dma_wait3A_189] : memref<65536x256xf32, #tpu.memory_space<hbm>> -> memref<256x128xf32, #tpu.memory_space<hbm>>
      %dma_wait3A_191 = arith.constant 0 : i32
      %dma_wait3A_192 = tpu.memref_slice %arg5[%add3A_172, %dma_wait3A_191] : memref<65536x256xf32, #tpu.memory_space<hbm>> -> memref<256x128xf32, #tpu.memory_space<hbm>>
      tpu.wait_dma2 semaphore(%run_scoped3A_184 : memref<!tpu.dma_semaphore, #tpu.memory_space<semaphore_mem>>) src(%arg8 : memref<256x128xf32, #tpu.memory_space<vmem>>) dst(%dma_wait3A_192 : memref<256x128xf32, #tpu.memory_space<hbm>>)
      tpu.yield
    }) : () -> ()
    %dma_wait3A_173 = arith.constant 1 : i32
    %dma_wait3A_174 = arith.constant 0 : i32
    %dma_wait3A_175 = arith.constant 0 : i32
    %dma_wait3A_176 = tpu.memref_slice %arg7[%dma_wait3A_173, %dma_wait3A_174, %dma_wait3A_175] : memref<2x256x128xf32, #tpu.memory_space<vmem>> -> memref<1x256x128xf32, #tpu.memory_space<vmem>>
    %dma_wait3A_177 = tpu.memref_squeeze %dma_wait3A_176 : memref<1x256x128xf32, #tpu.memory_space<vmem>> -> memref<256x128xf32, #tpu.memory_space<vmem>>
    %dma_wait3A_178 = arith.constant 1792 : i32
    %dma_wait3A_179 = tpu.memref_slice %arg6[%dma_wait3A_178] : memref<2048xi32, #tpu.memory_space<vmem>> -> memref<256xi32, #tpu.memory_space<vmem>>
    %dma_wait3A_180 = arith.constant 0 : i32
    %dma_wait3A_181 = arith.constant 0 : i32
    %dma_wait3A_182 = tpu.memref_slice %arg2[%dma_wait3A_180, %dma_wait3A_181] : memref<4096x128xf32, #tpu.memory_space<hbm>> -> memref<4096x128xf32, #tpu.memory_space<hbm>>
    tpu.wait_indirect_dma semaphore(%arg10 : memref<!tpu.dma_semaphore, #tpu.memory_space<semaphore_mem>>) src(%dma_wait3A_182 : memref<4096x128xf32, #tpu.memory_space<hbm>>) dst(%dma_wait3A_177 : memref<256x128xf32, #tpu.memory_space<vmem>>)
    %run_scoped3A_183 = arith.constant 1 : i32
    "tpu.region"() ({
      %run_scoped3A_184 = tpu.sem_alloc : memref<!tpu.dma_semaphore, #tpu.memory_space<semaphore_mem>>
      %dma_start3A_185 = arith.constant 0 : i32
      %dma_start3A_186 = arith.constant 0 : i32
      %dma_start3A_187 = tpu.memref_slice %arg7[%run_scoped3A_183, %dma_start3A_185, %dma_start3A_186] : memref<2x256x128xf32, #tpu.memory_space<vmem>> -> memref<1x256x128xf32, #tpu.memory_space<vmem>>
      %dma_start3A_188 = tpu.memref_squeeze %dma_start3A_187 : memref<1x256x128xf32, #tpu.memory_space<vmem>> -> memref<256x128xf32, #tpu.memory_space<vmem>>
      %dma_start3A_189 = arith.constant 128 : i32
      %dma_start3A_190 = tpu.memref_slice %arg5[%add3A_172, %dma_start3A_189] : memref<65536x256xf32, #tpu.memory_space<hbm>> -> memref<256x128xf32, #tpu.memory_space<hbm>>
      %dma_start3A_191 = arith.constant 128 : i32
      %dma_start3A_192 = tpu.memref_slice %arg5[%add3A_172, %dma_start3A_191] : memref<65536x256xf32, #tpu.memory_space<hbm>> -> memref<256x128xf32, #tpu.memory_space<hbm>>
      %dma_start3A_193 = arith.constant 0 : i32
      %dma_start3A_194 = arith.constant 0 : i32
      %dma_start3A_195 = tpu.memref_slice %arg7[%run_scoped3A_183, %dma_start3A_193, %dma_start3A_194] : memref<2x256x128xf32, #tpu.memory_space<vmem>> -> memref<1x256x128xf32, #tpu.memory_space<vmem>>
      %dma_start3A_196 = tpu.memref_squeeze %dma_start3A_195 : memref<1x256x128xf32, #tpu.memory_space<vmem>> -> memref<256x128xf32, #tpu.memory_space<vmem>>
      tpu.enqueue_dma source(%dma_start3A_196 : memref<256x128xf32, #tpu.memory_space<vmem>>) target(%dma_start3A_192 : memref<256x128xf32, #tpu.memory_space<hbm>>) target_semaphore(%run_scoped3A_184 : memref<!tpu.dma_semaphore, #tpu.memory_space<semaphore_mem>>)
      %dma_wait3A_197 = arith.constant 0 : i32
      %dma_wait3A_198 = arith.constant 0 : i32
      %dma_wait3A_199 = tpu.memref_slice %arg7[%run_scoped3A_183, %dma_wait3A_197, %dma_wait3A_198] : memref<2x256x128xf32, #tpu.memory_space<vmem>> -> memref<1x256x128xf32, #tpu.memory_space<vmem>>
      %dma_wait3A_200 = tpu.memref_squeeze %dma_wait3A_199 : memref<1x256x128xf32, #tpu.memory_space<vmem>> -> memref<256x128xf32, #tpu.memory_space<vmem>>
      %dma_wait3A_201 = arith.constant 128 : i32
      %dma_wait3A_202 = tpu.memref_slice %arg5[%add3A_172, %dma_wait3A_201] : memref<65536x256xf32, #tpu.memory_space<hbm>> -> memref<256x128xf32, #tpu.memory_space<hbm>>
      %dma_wait3A_203 = arith.constant 128 : i32
      %dma_wait3A_204 = tpu.memref_slice %arg5[%add3A_172, %dma_wait3A_203] : memref<65536x256xf32, #tpu.memory_space<hbm>> -> memref<256x128xf32, #tpu.memory_space<hbm>>
      %dma_wait3A_205 = arith.constant 0 : i32
      %dma_wait3A_206 = arith.constant 0 : i32
      %dma_wait3A_207 = tpu.memref_slice %arg7[%run_scoped3A_183, %dma_wait3A_205, %dma_wait3A_206] : memref<2x256x128xf32, #tpu.memory_space<vmem>> -> memref<1x256x128xf32, #tpu.memory_space<vmem>>
      %dma_wait3A_208 = tpu.memref_squeeze %dma_wait3A_207 : memref<1x256x128xf32, #tpu.memory_space<vmem>> -> memref<256x128xf32, #tpu.memory_space<vmem>>
      tpu.wait_dma2 semaphore(%run_scoped3A_184 : memref<!tpu.dma_semaphore, #tpu.memory_space<semaphore_mem>>) src(%dma_wait3A_208 : memref<256x128xf32, #tpu.memory_space<vmem>>) dst(%dma_wait3A_204 : memref<256x128xf32, #tpu.memory_space<hbm>>)
      tpu.yield
    }) : () -> ()
    return
  }
}

module attributes {stable_mosaic.version = 14 : i64} {
  func.func @_tc_body(%arg0: i32, %arg1: memref<256x3xf32, #tpu.memory_space<vmem>>, %arg2: memref<3x4096xf32, #tpu.memory_space<vmem>>, %arg3: memref<4096x3xf32, #tpu.memory_space<vmem>>, %arg4: memref<256x1xf32, #tpu.memory_space<vmem>>, %arg5: memref<1x4096xf32, #tpu.memory_space<vmem>>, %arg6: memref<256x1xi32, #tpu.memory_space<vmem>>, %arg7: memref<1x4096xi32, #tpu.memory_space<vmem>>, %arg8: memref<3x128xf32, #tpu.memory_space<vmem>>, %arg9: memref<3x128xf32, #tpu.memory_space<vmem>>, %arg10: memref<1x128xf32, #tpu.memory_space<vmem>>, %arg11: memref<1x128xf32, #tpu.memory_space<vmem>>, %arg12: memref<256x16x128xf32, #tpu.memory_space<vmem>>, %arg13: memref<256x16xi32, #tpu.memory_space<vmem>>) attributes {dimension_semantics = [#tpu.dimension_semantics<arbitrary>], iteration_bounds = array<i64: 16>, scalar_prefetch = 0 : i64, scratch_operands = 0 : i64, tpu.core_type = #tpu.core_type<tc>, window_params = [{transform_indices = @transform_0, window_bounds = array<i64: 256, 3>}, {pipeline_mode = #tpu.pipeline_mode<synchronous>, transform_indices = @transform_1, window_bounds = array<i64: 3, 4096>}, {pipeline_mode = #tpu.pipeline_mode<synchronous>, transform_indices = @transform_2, window_bounds = array<i64: 4096, 3>}, {transform_indices = @transform_3, window_bounds = array<i64: 256, 1>}, {pipeline_mode = #tpu.pipeline_mode<synchronous>, transform_indices = @transform_4, window_bounds = array<i64: 1, 4096>}, {transform_indices = @transform_5, window_bounds = array<i64: 256, 1>}, {pipeline_mode = #tpu.pipeline_mode<synchronous>, transform_indices = @transform_6, window_bounds = array<i64: 1, 4096>}, {pipeline_mode = #tpu.pipeline_mode<synchronous>, transform_indices = @transform_7, window_bounds = array<i64: 3, 128>}, {pipeline_mode = #tpu.pipeline_mode<synchronous>, transform_indices = @transform_8, window_bounds = array<i64: 3, 128>}, {pipeline_mode = #tpu.pipeline_mode<synchronous>, transform_indices = @transform_9, window_bounds = array<i64: 1, 128>}, {pipeline_mode = #tpu.pipeline_mode<synchronous>, transform_indices = @transform_10, window_bounds = array<i64: 1, 128>}, {transform_indices = @transform_11, window_bounds = array<i64: 256, 16, 128>}, {transform_indices = @transform_12, window_bounds = array<i64: 256, 16>}]} {
    %get3A = arith.constant 0 : index
    %get3A_0 = arith.constant 0 : index
    %get3A_1 = vector.load %arg1[%get3A, %get3A_0] : memref<256x3xf32, #tpu.memory_space<vmem>>, vector<256x3xf32>
    %get3A_2 = arith.constant 0 : index
    %get3A_3 = arith.constant 0 : index
    %get3A_4 = vector.load %arg2[%get3A_2, %get3A_3] : memref<3x4096xf32, #tpu.memory_space<vmem>>, vector<3x4096xf32>
    %dot_general3A = arith.constant dense<0.000000e+00> : vector<256x4096xf32>
    %dot_general3A_5 = tpu.matmul %get3A_1, %get3A_4, %dot_general3A {dimension_numbers = #tpu.dot_dimension_numbers<[1], [0], [0], [1], [0, 0, 1, 1], [], []>, transpose_lhs_hint = false} : vector<256x3xf32>, vector<3x4096xf32>, vector<256x4096xf32> -> vector<256x4096xf32>
    %get3A_6 = arith.constant 0 : index
    %get3A_7 = arith.constant 0 : index
    %get3A_8 = vector.load %arg4[%get3A_6, %get3A_7] : memref<256x1xf32, #tpu.memory_space<vmem>>, vector<256x1xf32>
    %get3A_9 = arith.constant 0 : index
    %get3A_10 = arith.constant 0 : index
    %get3A_11 = vector.load %arg5[%get3A_9, %get3A_10] : memref<1x4096xf32, #tpu.memory_space<vmem>>, vector<1x4096xf32>
    %add3A = vector.broadcast %get3A_8 : vector<256x1xf32> to vector<256x4096xf32>
    %add3A_12 = vector.broadcast %get3A_11 : vector<1x4096xf32> to vector<256x4096xf32>
    %add3A_13 = arith.addf %add3A, %add3A_12 : vector<256x4096xf32>
    %mul3A = arith.constant 2.000000e+00 : f32
    %mul3A_14 = vector.broadcast %mul3A : f32 to vector<256x4096xf32>
    %mul3A_15 = arith.mulf %mul3A_14, %dot_general3A_5 : vector<256x4096xf32>
    %sub3A = arith.subf %add3A_13, %mul3A_15 : vector<256x4096xf32>
    %get3A_16 = arith.constant 0 : index
    %get3A_17 = arith.constant 0 : index
    %get3A_18 = vector.load %arg6[%get3A_16, %get3A_17] : memref<256x1xi32, #tpu.memory_space<vmem>>, vector<256x1xi32>
    %get3A_19 = arith.constant 0 : index
    %get3A_20 = arith.constant 0 : index
    %get3A_21 = vector.load %arg7[%get3A_19, %get3A_20] : memref<1x4096xi32, #tpu.memory_space<vmem>>, vector<1x4096xi32>
    %ne3A = vector.broadcast %get3A_18 : vector<256x1xi32> to vector<256x4096xi32>
    %ne3A_22 = vector.broadcast %get3A_21 : vector<1x4096xi32> to vector<256x4096xi32>
    %ne3A_23 = arith.cmpi ne, %ne3A, %ne3A_22 : vector<256x4096xi32>
    %jit3A = arith.constant 1.000000e+30 : f32
    %broadcast_in_dim3A = vector.broadcast %jit3A : f32 to vector<256x4096xf32>
    %select_n3A = arith.select %ne3A_23, %broadcast_in_dim3A, %sub3A : vector<256x4096xi1>, vector<256x4096xf32>
    %iota3A = tpu.iota {dimensions = array<i32: 1>} : vector<256x4096xi32>
    %convert_element_type3A = arith.sitofp %iota3A : vector<256x4096xi32> to vector<256x4096xf32>
    %get3A_24 = arith.constant 0 : index
    %get3A_25 = arith.constant 0 : index
    %get3A_26 = vector.load %arg3[%get3A_24, %get3A_25] : memref<4096x3xf32, #tpu.memory_space<vmem>>, vector<4096x3xf32>
    %get3A_27 = arith.constant 0 : index
    %get3A_28 = arith.constant 0 : index
    %get3A_29 = vector.load %arg8[%get3A_27, %get3A_28] : memref<3x128xf32, #tpu.memory_space<vmem>>, vector<3x128xf32>
    %dot_general3A_30 = arith.constant dense<0.000000e+00> : vector<256x128xf32>
    %dot_general3A_31 = tpu.matmul %get3A_1, %get3A_29, %dot_general3A_30 {dimension_numbers = #tpu.dot_dimension_numbers<[1], [0], [0], [1], [0, 0, 1, 1], [], []>, transpose_lhs_hint = false} : vector<256x3xf32>, vector<3x128xf32>, vector<256x128xf32> -> vector<256x128xf32>
    %get3A_32 = arith.constant 0 : index
    %get3A_33 = arith.constant 0 : index
    %get3A_34 = vector.load %arg11[%get3A_32, %get3A_33] : memref<1x128xf32, #tpu.memory_space<vmem>>, vector<1x128xf32>
    %add3A_35 = vector.broadcast %get3A_34 : vector<1x128xf32> to vector<256x128xf32>
    %add3A_36 = arith.addf %dot_general3A_31, %add3A_35 : vector<256x128xf32>
    %get3A_37 = arith.constant 0 : index
    %get3A_38 = arith.constant 0 : index
    %get3A_39 = vector.load %arg9[%get3A_37, %get3A_38] : memref<3x128xf32, #tpu.memory_space<vmem>>, vector<3x128xf32>
    %get3A_40 = arith.constant 0 : index
    %get3A_41 = arith.constant 0 : index
    %get3A_42 = vector.load %arg10[%get3A_40, %get3A_41] : memref<1x128xf32, #tpu.memory_space<vmem>>, vector<1x128xf32>
    %reduce_min3A = arith.constant dense<0x7F800000> : vector<256xf32>
    %reduce_min3A_43 = vector.multi_reduction <minimumf>, %select_n3A, %reduce_min3A [1] : vector<256x4096xf32> to vector<256xf32>
    %broadcast_in_dim3A_44 = vector.shape_cast %reduce_min3A_43 : vector<256xf32> to vector<256x1xf32>
    %eq3A = vector.broadcast %broadcast_in_dim3A_44 : vector<256x1xf32> to vector<256x4096xf32>
    %eq3A_45 = arith.cmpf oeq, %select_n3A, %eq3A : vector<256x4096xf32>
    %jit3A_46 = arith.constant 4.096000e+03 : f32
    %broadcast_in_dim3A_47 = vector.broadcast %jit3A_46 : f32 to vector<256x4096xf32>
    %select_n3A_48 = arith.select %eq3A_45, %convert_element_type3A, %broadcast_in_dim3A_47 : vector<256x4096xi1>, vector<256x4096xf32>
    %reduce_min3A_49 = arith.constant dense<0x7F800000> : vector<256xf32>
    %reduce_min3A_50 = vector.multi_reduction <minimumf>, %select_n3A_48, %reduce_min3A_49 [1] : vector<256x4096xf32> to vector<256xf32>
    %broadcast_in_dim3A_51 = vector.shape_cast %reduce_min3A_50 : vector<256xf32> to vector<256x1xf32>
    %eq3A_52 = vector.broadcast %broadcast_in_dim3A_51 : vector<256x1xf32> to vector<256x4096xf32>
    %eq3A_53 = arith.cmpf oeq, %convert_element_type3A, %eq3A_52 : vector<256x4096xf32>
    %convert_element_type3A_54 = arith.extui %eq3A_53 : vector<256x4096xi1> to vector<256x4096xi32>
    %convert_element_type3A_55 = arith.sitofp %convert_element_type3A_54 : vector<256x4096xi32> to vector<256x4096xf32>
    %jit3A_56 = arith.constant 2.000000e+30 : f32
    %broadcast_in_dim3A_57 = vector.broadcast %jit3A_56 : f32 to vector<256x4096xf32>
    %select_n3A_58 = arith.select %eq3A_53, %broadcast_in_dim3A_57, %select_n3A : vector<256x4096xi1>, vector<256x4096xf32>
    %dot_general3A_59 = arith.constant dense<0.000000e+00> : vector<256x3xf32>
    %dot_general3A_60 = tpu.matmul %convert_element_type3A_55, %get3A_26, %dot_general3A_59 {dimension_numbers = #tpu.dot_dimension_numbers<[1], [0], [0], [1], [0, 0, 1, 1], [], []>, transpose_lhs_hint = false} : vector<256x4096xf32>, vector<4096x3xf32>, vector<256x3xf32> -> vector<256x3xf32>
    %sub3A_61 = arith.subf %get3A_1, %dot_general3A_60 : vector<256x3xf32>
    %mul3A_62 = arith.mulf %sub3A_61, %sub3A_61 : vector<256x3xf32>
    %reduce_sum3A = arith.constant dense<0.000000e+00> : vector<256xf32>
    %reduce_sum3A_63 = vector.multi_reduction <add>, %mul3A_62, %reduce_sum3A [1] : vector<256x3xf32> to vector<256xf32>
    %broadcast_in_dim3A_64 = vector.shape_cast %reduce_sum3A_63 : vector<256xf32> to vector<256x1xf32>
    %add3A_65 = arith.constant 9.99999996E-13 : f32
    %add3A_66 = vector.broadcast %add3A_65 : f32 to vector<256x1xf32>
    %add3A_67 = arith.addf %broadcast_in_dim3A_64, %add3A_66 : vector<256x1xf32>
    %sqrt3A = math.sqrt %add3A_67 : vector<256x1xf32>
    %dot_general3A_68 = arith.constant dense<0.000000e+00> : vector<256x128xf32>
    %dot_general3A_69 = tpu.matmul %dot_general3A_60, %get3A_39, %dot_general3A_68 {dimension_numbers = #tpu.dot_dimension_numbers<[1], [0], [0], [1], [0, 0, 1, 1], [], []>, transpose_lhs_hint = false} : vector<256x3xf32>, vector<3x128xf32>, vector<256x128xf32> -> vector<256x128xf32>
    %add3A_70 = arith.addf %add3A_36, %dot_general3A_69 : vector<256x128xf32>
    %mul3A_71 = vector.broadcast %sqrt3A : vector<256x1xf32> to vector<256x128xf32>
    %mul3A_72 = vector.broadcast %get3A_42 : vector<1x128xf32> to vector<256x128xf32>
    %mul3A_73 = arith.mulf %mul3A_71, %mul3A_72 : vector<256x128xf32>
    %add3A_74 = arith.addf %add3A_70, %mul3A_73 : vector<256x128xf32>
    %max3A = arith.constant 0.000000e+00 : f32
    %max3A_75 = vector.broadcast %max3A : f32 to vector<256x128xf32>
    %max3A_76 = arith.maximumf %add3A_74, %max3A_75 : vector<256x128xf32>
    %swap3A = arith.constant 0 : index
    %swap3A_77 = arith.constant 0 : index
    %swap3A_78 = arith.constant 0 : index
    %swap3A_79 = vector.load %arg12[%swap3A, %swap3A_77, %swap3A_78] : memref<256x16x128xf32, #tpu.memory_space<vmem>>, vector<256x1x128xf32>
    %swap3A_80 = vector.shape_cast %swap3A_79 : vector<256x1x128xf32> to vector<256x128xf32>
    %swap3A_81 = vector.shape_cast %max3A_76 : vector<256x128xf32> to vector<256x1x128xf32>
    tpu.vector_store %arg12[%swap3A, %swap3A_77, %swap3A_78], %swap3A_81 {strides = array<i32>} : memref<256x16x128xf32, #tpu.memory_space<vmem>>, vector<256x1x128xf32>,
    %reduce_min3A_82 = arith.constant dense<0x7F800000> : vector<256xf32>
    %reduce_min3A_83 = vector.multi_reduction <minimumf>, %select_n3A_58, %reduce_min3A_82 [1] : vector<256x4096xf32> to vector<256xf32>
    %broadcast_in_dim3A_84 = vector.shape_cast %reduce_min3A_83 : vector<256xf32> to vector<256x1xf32>
    %eq3A_85 = vector.broadcast %broadcast_in_dim3A_84 : vector<256x1xf32> to vector<256x4096xf32>
    %eq3A_86 = arith.cmpf oeq, %select_n3A_58, %eq3A_85 : vector<256x4096xf32>
    %jit3A_87 = arith.constant 4.096000e+03 : f32
    %broadcast_in_dim3A_88 = vector.broadcast %jit3A_87 : f32 to vector<256x4096xf32>
    %select_n3A_89 = arith.select %eq3A_86, %convert_element_type3A, %broadcast_in_dim3A_88 : vector<256x4096xi1>, vector<256x4096xf32>
    %reduce_min3A_90 = arith.constant dense<0x7F800000> : vector<256xf32>
    %reduce_min3A_91 = vector.multi_reduction <minimumf>, %select_n3A_89, %reduce_min3A_90 [1] : vector<256x4096xf32> to vector<256xf32>
    %broadcast_in_dim3A_92 = vector.shape_cast %reduce_min3A_91 : vector<256xf32> to vector<256x1xf32>
    %eq3A_93 = vector.broadcast %broadcast_in_dim3A_92 : vector<256x1xf32> to vector<256x4096xf32>
    %eq3A_94 = arith.cmpf oeq, %convert_element_type3A, %eq3A_93 : vector<256x4096xf32>
    %convert_element_type3A_95 = arith.extui %eq3A_94 : vector<256x4096xi1> to vector<256x4096xi32>
    %convert_element_type3A_96 = arith.sitofp %convert_element_type3A_95 : vector<256x4096xi32> to vector<256x4096xf32>
    %jit3A_97 = arith.constant 2.000000e+30 : f32
    %broadcast_in_dim3A_98 = vector.broadcast %jit3A_97 : f32 to vector<256x4096xf32>
    %select_n3A_99 = arith.select %eq3A_94, %broadcast_in_dim3A_98, %select_n3A_58 : vector<256x4096xi1>, vector<256x4096xf32>
    %dot_general3A_100 = arith.constant dense<0.000000e+00> : vector<256x3xf32>
    %dot_general3A_101 = tpu.matmul %convert_element_type3A_96, %get3A_26, %dot_general3A_100 {dimension_numbers = #tpu.dot_dimension_numbers<[1], [0], [0], [1], [0, 0, 1, 1], [], []>, transpose_lhs_hint = false} : vector<256x4096xf32>, vector<4096x3xf32>, vector<256x3xf32> -> vector<256x3xf32>
    %sub3A_102 = arith.subf %get3A_1, %dot_general3A_101 : vector<256x3xf32>
    %mul3A_103 = arith.mulf %sub3A_102, %sub3A_102 : vector<256x3xf32>
    %reduce_sum3A_104 = arith.constant dense<0.000000e+00> : vector<256xf32>
    %reduce_sum3A_105 = vector.multi_reduction <add>, %mul3A_103, %reduce_sum3A_104 [1] : vector<256x3xf32> to vector<256xf32>
    %broadcast_in_dim3A_106 = vector.shape_cast %reduce_sum3A_105 : vector<256xf32> to vector<256x1xf32>
    %add3A_107 = arith.constant 9.99999996E-13 : f32
    %add3A_108 = vector.broadcast %add3A_107 : f32 to vector<256x1xf32>
    %add3A_109 = arith.addf %broadcast_in_dim3A_106, %add3A_108 : vector<256x1xf32>
    %sqrt3A_110 = math.sqrt %add3A_109 : vector<256x1xf32>
    %dot_general3A_111 = arith.constant dense<0.000000e+00> : vector<256x128xf32>
    %dot_general3A_112 = tpu.matmul %dot_general3A_101, %get3A_39, %dot_general3A_111 {dimension_numbers = #tpu.dot_dimension_numbers<[1], [0], [0], [1], [0, 0, 1, 1], [], []>, transpose_lhs_hint = false} : vector<256x3xf32>, vector<3x128xf32>, vector<256x128xf32> -> vector<256x128xf32>
    %add3A_113 = arith.addf %add3A_36, %dot_general3A_112 : vector<256x128xf32>
    %mul3A_114 = vector.broadcast %sqrt3A_110 : vector<256x1xf32> to vector<256x128xf32>
    %mul3A_115 = vector.broadcast %get3A_42 : vector<1x128xf32> to vector<256x128xf32>
    %mul3A_116 = arith.mulf %mul3A_114, %mul3A_115 : vector<256x128xf32>
    %add3A_117 = arith.addf %add3A_113, %mul3A_116 : vector<256x128xf32>
    %max3A_118 = arith.constant 0.000000e+00 : f32
    %max3A_119 = vector.broadcast %max3A_118 : f32 to vector<256x128xf32>
    %max3A_120 = arith.maximumf %add3A_117, %max3A_119 : vector<256x128xf32>
    %swap3A_121 = arith.constant 0 : index
    %swap3A_122 = arith.constant 1 : index
    %swap3A_123 = arith.constant 0 : index
    %swap3A_124 = vector.load %arg12[%swap3A_121, %swap3A_122, %swap3A_123] : memref<256x16x128xf32, #tpu.memory_space<vmem>>, vector<256x1x128xf32>
    %swap3A_125 = vector.shape_cast %swap3A_124 : vector<256x1x128xf32> to vector<256x128xf32>
    %swap3A_126 = vector.shape_cast %max3A_120 : vector<256x128xf32> to vector<256x1x128xf32>
    tpu.vector_store %arg12[%swap3A_121, %swap3A_122, %swap3A_123], %swap3A_126 {strides = array<i32>} : memref<256x16x128xf32, #tpu.memory_space<vmem>>, vector<256x1x128xf32>,
    %reduce_min3A_127 = arith.constant dense<0x7F800000> : vector<256xf32>
    %reduce_min3A_128 = vector.multi_reduction <minimumf>, %select_n3A_99, %reduce_min3A_127 [1] : vector<256x4096xf32> to vector<256xf32>
    %broadcast_in_dim3A_129 = vector.shape_cast %reduce_min3A_128 : vector<256xf32> to vector<256x1xf32>
    %eq3A_130 = vector.broadcast %broadcast_in_dim3A_129 : vector<256x1xf32> to vector<256x4096xf32>
    %eq3A_131 = arith.cmpf oeq, %select_n3A_99, %eq3A_130 : vector<256x4096xf32>
    %jit3A_132 = arith.constant 4.096000e+03 : f32
    %broadcast_in_dim3A_133 = vector.broadcast %jit3A_132 : f32 to vector<256x4096xf32>
    %select_n3A_134 = arith.select %eq3A_131, %convert_element_type3A, %broadcast_in_dim3A_133 : vector<256x4096xi1>, vector<256x4096xf32>
    %reduce_min3A_135 = arith.constant dense<0x7F800000> : vector<256xf32>
    %reduce_min3A_136 = vector.multi_reduction <minimumf>, %select_n3A_134, %reduce_min3A_135 [1] : vector<256x4096xf32> to vector<256xf32>
    %broadcast_in_dim3A_137 = vector.shape_cast %reduce_min3A_136 : vector<256xf32> to vector<256x1xf32>
    %eq3A_138 = vector.broadcast %broadcast_in_dim3A_137 : vector<256x1xf32> to vector<256x4096xf32>
    %eq3A_139 = arith.cmpf oeq, %convert_element_type3A, %eq3A_138 : vector<256x4096xf32>
    %convert_element_type3A_140 = arith.extui %eq3A_139 : vector<256x4096xi1> to vector<256x4096xi32>
    %convert_element_type3A_141 = arith.sitofp %convert_element_type3A_140 : vector<256x4096xi32> to vector<256x4096xf32>
    %jit3A_142 = arith.constant 2.000000e+30 : f32
    %broadcast_in_dim3A_143 = vector.broadcast %jit3A_142 : f32 to vector<256x4096xf32>
    %select_n3A_144 = arith.select %eq3A_139, %broadcast_in_dim3A_143, %select_n3A_99 : vector<256x4096xi1>, vector<256x4096xf32>
    %dot_general3A_145 = arith.constant dense<0.000000e+00> : vector<256x3xf32>
    %dot_general3A_146 = tpu.matmul %convert_element_type3A_141, %get3A_26, %dot_general3A_145 {dimension_numbers = #tpu.dot_dimension_numbers<[1], [0], [0], [1], [0, 0, 1, 1], [], []>, transpose_lhs_hint = false} : vector<256x4096xf32>, vector<4096x3xf32>, vector<256x3xf32> -> vector<256x3xf32>
    %sub3A_147 = arith.subf %get3A_1, %dot_general3A_146 : vector<256x3xf32>
    %mul3A_148 = arith.mulf %sub3A_147, %sub3A_147 : vector<256x3xf32>
    %reduce_sum3A_149 = arith.constant dense<0.000000e+00> : vector<256xf32>
    %reduce_sum3A_150 = vector.multi_reduction <add>, %mul3A_148, %reduce_sum3A_149 [1] : vector<256x3xf32> to vector<256xf32>
    %broadcast_in_dim3A_151 = vector.shape_cast %reduce_sum3A_150 : vector<256xf32> to vector<256x1xf32>
    %add3A_152 = arith.constant 9.99999996E-13 : f32
    %add3A_153 = vector.broadcast %add3A_152 : f32 to vector<256x1xf32>
    %add3A_154 = arith.addf %broadcast_in_dim3A_151, %add3A_153 : vector<256x1xf32>
    %sqrt3A_155 = math.sqrt %add3A_154 : vector<256x1xf32>
    %dot_general3A_156 = arith.constant dense<0.000000e+00> : vector<256x128xf32>
    %dot_general3A_157 = tpu.matmul %dot_general3A_146, %get3A_39, %dot_general3A_156 {dimension_numbers = #tpu.dot_dimension_numbers<[1], [0], [0], [1], [0, 0, 1, 1], [], []>, transpose_lhs_hint = false} : vector<256x3xf32>, vector<3x128xf32>, vector<256x128xf32> -> vector<256x128xf32>
    %add3A_158 = arith.addf %add3A_36, %dot_general3A_157 : vector<256x128xf32>
    %mul3A_159 = vector.broadcast %sqrt3A_155 : vector<256x1xf32> to vector<256x128xf32>
    %mul3A_160 = vector.broadcast %get3A_42 : vector<1x128xf32> to vector<256x128xf32>
    %mul3A_161 = arith.mulf %mul3A_159, %mul3A_160 : vector<256x128xf32>
    %add3A_162 = arith.addf %add3A_158, %mul3A_161 : vector<256x128xf32>
    %max3A_163 = arith.constant 0.000000e+00 : f32
    %max3A_164 = vector.broadcast %max3A_163 : f32 to vector<256x128xf32>
    %max3A_165 = arith.maximumf %add3A_162, %max3A_164 : vector<256x128xf32>
    %swap3A_166 = arith.constant 0 : index
    %swap3A_167 = arith.constant 2 : index
    %swap3A_168 = arith.constant 0 : index
    %swap3A_169 = vector.load %arg12[%swap3A_166, %swap3A_167, %swap3A_168] : memref<256x16x128xf32, #tpu.memory_space<vmem>>, vector<256x1x128xf32>
    %swap3A_170 = vector.shape_cast %swap3A_169 : vector<256x1x128xf32> to vector<256x128xf32>
    %swap3A_171 = vector.shape_cast %max3A_165 : vector<256x128xf32> to vector<256x1x128xf32>
    tpu.vector_store %arg12[%swap3A_166, %swap3A_167, %swap3A_168], %swap3A_171 {strides = array<i32>} : memref<256x16x128xf32, #tpu.memory_space<vmem>>, vector<256x1x128xf32>,
    %reduce_min3A_172 = arith.constant dense<0x7F800000> : vector<256xf32>
    %reduce_min3A_173 = vector.multi_reduction <minimumf>, %select_n3A_144, %reduce_min3A_172 [1] : vector<256x4096xf32> to vector<256xf32>
    %broadcast_in_dim3A_174 = vector.shape_cast %reduce_min3A_173 : vector<256xf32> to vector<256x1xf32>
    %eq3A_175 = vector.broadcast %broadcast_in_dim3A_174 : vector<256x1xf32> to vector<256x4096xf32>
    %eq3A_176 = arith.cmpf oeq, %select_n3A_144, %eq3A_175 : vector<256x4096xf32>
    %jit3A_177 = arith.constant 4.096000e+03 : f32
    %broadcast_in_dim3A_178 = vector.broadcast %jit3A_177 : f32 to vector<256x4096xf32>
    %select_n3A_179 = arith.select %eq3A_176, %convert_element_type3A, %broadcast_in_dim3A_178 : vector<256x4096xi1>, vector<256x4096xf32>
    %reduce_min3A_180 = arith.constant dense<0x7F800000> : vector<256xf32>
    %reduce_min3A_181 = vector.multi_reduction <minimumf>, %select_n3A_179, %reduce_min3A_180 [1] : vector<256x4096xf32> to vector<256xf32>
    %broadcast_in_dim3A_182 = vector.shape_cast %reduce_min3A_181 : vector<256xf32> to vector<256x1xf32>
    %eq3A_183 = vector.broadcast %broadcast_in_dim3A_182 : vector<256x1xf32> to vector<256x4096xf32>
    %eq3A_184 = arith.cmpf oeq, %convert_element_type3A, %eq3A_183 : vector<256x4096xf32>
    %convert_element_type3A_185 = arith.extui %eq3A_184 : vector<256x4096xi1> to vector<256x4096xi32>
    %convert_element_type3A_186 = arith.sitofp %convert_element_type3A_185 : vector<256x4096xi32> to vector<256x4096xf32>
    %jit3A_187 = arith.constant 2.000000e+30 : f32
    %broadcast_in_dim3A_188 = vector.broadcast %jit3A_187 : f32 to vector<256x4096xf32>
    %select_n3A_189 = arith.select %eq3A_184, %broadcast_in_dim3A_188, %select_n3A_144 : vector<256x4096xi1>, vector<256x4096xf32>
    %dot_general3A_190 = arith.constant dense<0.000000e+00> : vector<256x3xf32>
    %dot_general3A_191 = tpu.matmul %convert_element_type3A_186, %get3A_26, %dot_general3A_190 {dimension_numbers = #tpu.dot_dimension_numbers<[1], [0], [0], [1], [0, 0, 1, 1], [], []>, transpose_lhs_hint = false} : vector<256x4096xf32>, vector<4096x3xf32>, vector<256x3xf32> -> vector<256x3xf32>
    %sub3A_192 = arith.subf %get3A_1, %dot_general3A_191 : vector<256x3xf32>
    %mul3A_193 = arith.mulf %sub3A_192, %sub3A_192 : vector<256x3xf32>
    %reduce_sum3A_194 = arith.constant dense<0.000000e+00> : vector<256xf32>
    %reduce_sum3A_195 = vector.multi_reduction <add>, %mul3A_193, %reduce_sum3A_194 [1] : vector<256x3xf32> to vector<256xf32>
    %broadcast_in_dim3A_196 = vector.shape_cast %reduce_sum3A_195 : vector<256xf32> to vector<256x1xf32>
    %add3A_197 = arith.constant 9.99999996E-13 : f32
    %add3A_198 = vector.broadcast %add3A_197 : f32 to vector<256x1xf32>
    %add3A_199 = arith.addf %broadcast_in_dim3A_196, %add3A_198 : vector<256x1xf32>
    %sqrt3A_200 = math.sqrt %add3A_199 : vector<256x1xf32>
    %dot_general3A_201 = arith.constant dense<0.000000e+00> : vector<256x128xf32>
    %dot_general3A_202 = tpu.matmul %dot_general3A_191, %get3A_39, %dot_general3A_201 {dimension_numbers = #tpu.dot_dimension_numbers<[1], [0], [0], [1], [0, 0, 1, 1], [], []>, transpose_lhs_hint = false} : vector<256x3xf32>, vector<3x128xf32>, vector<256x128xf32> -> vector<256x128xf32>
    %add3A_203 = arith.addf %add3A_36, %dot_general3A_202 : vector<256x128xf32>
    %mul3A_204 = vector.broadcast %sqrt3A_200 : vector<256x1xf32> to vector<256x128xf32>
    %mul3A_205 = vector.broadcast %get3A_42 : vector<1x128xf32> to vector<256x128xf32>
    %mul3A_206 = arith.mulf %mul3A_204, %mul3A_205 : vector<256x128xf32>
    %add3A_207 = arith.addf %add3A_203, %mul3A_206 : vector<256x128xf32>
    %max3A_208 = arith.constant 0.000000e+00 : f32
    %max3A_209 = vector.broadcast %max3A_208 : f32 to vector<256x128xf32>
    %max3A_210 = arith.maximumf %add3A_207, %max3A_209 : vector<256x128xf32>
    %swap3A_211 = arith.constant 0 : index
    %swap3A_212 = arith.constant 3 : index
    %swap3A_213 = arith.constant 0 : index
    %swap3A_214 = vector.load %arg12[%swap3A_211, %swap3A_212, %swap3A_213] : memref<256x16x128xf32, #tpu.memory_space<vmem>>, vector<256x1x128xf32>
    %swap3A_215 = vector.shape_cast %swap3A_214 : vector<256x1x128xf32> to vector<256x128xf32>
    %swap3A_216 = vector.shape_cast %max3A_210 : vector<256x128xf32> to vector<256x1x128xf32>
    tpu.vector_store %arg12[%swap3A_211, %swap3A_212, %swap3A_213], %swap3A_216 {strides = array<i32>} : memref<256x16x128xf32, #tpu.memory_space<vmem>>, vector<256x1x128xf32>,
    %reduce_min3A_217 = arith.constant dense<0x7F800000> : vector<256xf32>
    %reduce_min3A_218 = vector.multi_reduction <minimumf>, %select_n3A_189, %reduce_min3A_217 [1] : vector<256x4096xf32> to vector<256xf32>
    %broadcast_in_dim3A_219 = vector.shape_cast %reduce_min3A_218 : vector<256xf32> to vector<256x1xf32>
    %eq3A_220 = vector.broadcast %broadcast_in_dim3A_219 : vector<256x1xf32> to vector<256x4096xf32>
    %eq3A_221 = arith.cmpf oeq, %select_n3A_189, %eq3A_220 : vector<256x4096xf32>
    %jit3A_222 = arith.constant 4.096000e+03 : f32
    %broadcast_in_dim3A_223 = vector.broadcast %jit3A_222 : f32 to vector<256x4096xf32>
    %select_n3A_224 = arith.select %eq3A_221, %convert_element_type3A, %broadcast_in_dim3A_223 : vector<256x4096xi1>, vector<256x4096xf32>
    %reduce_min3A_225 = arith.constant dense<0x7F800000> : vector<256xf32>
    %reduce_min3A_226 = vector.multi_reduction <minimumf>, %select_n3A_224, %reduce_min3A_225 [1] : vector<256x4096xf32> to vector<256xf32>
    %broadcast_in_dim3A_227 = vector.shape_cast %reduce_min3A_226 : vector<256xf32> to vector<256x1xf32>
    %eq3A_228 = vector.broadcast %broadcast_in_dim3A_227 : vector<256x1xf32> to vector<256x4096xf32>
    %eq3A_229 = arith.cmpf oeq, %convert_element_type3A, %eq3A_228 : vector<256x4096xf32>
    %convert_element_type3A_230 = arith.extui %eq3A_229 : vector<256x4096xi1> to vector<256x4096xi32>
    %convert_element_type3A_231 = arith.sitofp %convert_element_type3A_230 : vector<256x4096xi32> to vector<256x4096xf32>
    %jit3A_232 = arith.constant 2.000000e+30 : f32
    %broadcast_in_dim3A_233 = vector.broadcast %jit3A_232 : f32 to vector<256x4096xf32>
    %select_n3A_234 = arith.select %eq3A_229, %broadcast_in_dim3A_233, %select_n3A_189 : vector<256x4096xi1>, vector<256x4096xf32>
    %dot_general3A_235 = arith.constant dense<0.000000e+00> : vector<256x3xf32>
    %dot_general3A_236 = tpu.matmul %convert_element_type3A_231, %get3A_26, %dot_general3A_235 {dimension_numbers = #tpu.dot_dimension_numbers<[1], [0], [0], [1], [0, 0, 1, 1], [], []>, transpose_lhs_hint = false} : vector<256x4096xf32>, vector<4096x3xf32>, vector<256x3xf32> -> vector<256x3xf32>
    %sub3A_237 = arith.subf %get3A_1, %dot_general3A_236 : vector<256x3xf32>
    %mul3A_238 = arith.mulf %sub3A_237, %sub3A_237 : vector<256x3xf32>
    %reduce_sum3A_239 = arith.constant dense<0.000000e+00> : vector<256xf32>
    %reduce_sum3A_240 = vector.multi_reduction <add>, %mul3A_238, %reduce_sum3A_239 [1] : vector<256x3xf32> to vector<256xf32>
    %broadcast_in_dim3A_241 = vector.shape_cast %reduce_sum3A_240 : vector<256xf32> to vector<256x1xf32>
    %add3A_242 = arith.constant 9.99999996E-13 : f32
    %add3A_243 = vector.broadcast %add3A_242 : f32 to vector<256x1xf32>
    %add3A_244 = arith.addf %broadcast_in_dim3A_241, %add3A_243 : vector<256x1xf32>
    %sqrt3A_245 = math.sqrt %add3A_244 : vector<256x1xf32>
    %dot_general3A_246 = arith.constant dense<0.000000e+00> : vector<256x128xf32>
    %dot_general3A_247 = tpu.matmul %dot_general3A_236, %get3A_39, %dot_general3A_246 {dimension_numbers = #tpu.dot_dimension_numbers<[1], [0], [0], [1], [0, 0, 1, 1], [], []>, transpose_lhs_hint = false} : vector<256x3xf32>, vector<3x128xf32>, vector<256x128xf32> -> vector<256x128xf32>
    %add3A_248 = arith.addf %add3A_36, %dot_general3A_247 : vector<256x128xf32>
    %mul3A_249 = vector.broadcast %sqrt3A_245 : vector<256x1xf32> to vector<256x128xf32>
    %mul3A_250 = vector.broadcast %get3A_42 : vector<1x128xf32> to vector<256x128xf32>
    %mul3A_251 = arith.mulf %mul3A_249, %mul3A_250 : vector<256x128xf32>
    %add3A_252 = arith.addf %add3A_248, %mul3A_251 : vector<256x128xf32>
    %max3A_253 = arith.constant 0.000000e+00 : f32
    %max3A_254 = vector.broadcast %max3A_253 : f32 to vector<256x128xf32>
    %max3A_255 = arith.maximumf %add3A_252, %max3A_254 : vector<256x128xf32>
    %swap3A_256 = arith.constant 0 : index
    %swap3A_257 = arith.constant 4 : index
    %swap3A_258 = arith.constant 0 : index
    %swap3A_259 = vector.load %arg12[%swap3A_256, %swap3A_257, %swap3A_258] : memref<256x16x128xf32, #tpu.memory_space<vmem>>, vector<256x1x128xf32>
    %swap3A_260 = vector.shape_cast %swap3A_259 : vector<256x1x128xf32> to vector<256x128xf32>
    %swap3A_261 = vector.shape_cast %max3A_255 : vector<256x128xf32> to vector<256x1x128xf32>
    tpu.vector_store %arg12[%swap3A_256, %swap3A_257, %swap3A_258], %swap3A_261 {strides = array<i32>} : memref<256x16x128xf32, #tpu.memory_space<vmem>>, vector<256x1x128xf32>,
    %reduce_min3A_262 = arith.constant dense<0x7F800000> : vector<256xf32>
    %reduce_min3A_263 = vector.multi_reduction <minimumf>, %select_n3A_234, %reduce_min3A_262 [1] : vector<256x4096xf32> to vector<256xf32>
    %broadcast_in_dim3A_264 = vector.shape_cast %reduce_min3A_263 : vector<256xf32> to vector<256x1xf32>
    %eq3A_265 = vector.broadcast %broadcast_in_dim3A_264 : vector<256x1xf32> to vector<256x4096xf32>
    %eq3A_266 = arith.cmpf oeq, %select_n3A_234, %eq3A_265 : vector<256x4096xf32>
    %jit3A_267 = arith.constant 4.096000e+03 : f32
    %broadcast_in_dim3A_268 = vector.broadcast %jit3A_267 : f32 to vector<256x4096xf32>
    %select_n3A_269 = arith.select %eq3A_266, %convert_element_type3A, %broadcast_in_dim3A_268 : vector<256x4096xi1>, vector<256x4096xf32>
    %reduce_min3A_270 = arith.constant dense<0x7F800000> : vector<256xf32>
    %reduce_min3A_271 = vector.multi_reduction <minimumf>, %select_n3A_269, %reduce_min3A_270 [1] : vector<256x4096xf32> to vector<256xf32>
    %broadcast_in_dim3A_272 = vector.shape_cast %reduce_min3A_271 : vector<256xf32> to vector<256x1xf32>
    %eq3A_273 = vector.broadcast %broadcast_in_dim3A_272 : vector<256x1xf32> to vector<256x4096xf32>
    %eq3A_274 = arith.cmpf oeq, %convert_element_type3A, %eq3A_273 : vector<256x4096xf32>
    %convert_element_type3A_275 = arith.extui %eq3A_274 : vector<256x4096xi1> to vector<256x4096xi32>
    %convert_element_type3A_276 = arith.sitofp %convert_element_type3A_275 : vector<256x4096xi32> to vector<256x4096xf32>
    %jit3A_277 = arith.constant 2.000000e+30 : f32
    %broadcast_in_dim3A_278 = vector.broadcast %jit3A_277 : f32 to vector<256x4096xf32>
    %select_n3A_279 = arith.select %eq3A_274, %broadcast_in_dim3A_278, %select_n3A_234 : vector<256x4096xi1>, vector<256x4096xf32>
    %dot_general3A_280 = arith.constant dense<0.000000e+00> : vector<256x3xf32>
    %dot_general3A_281 = tpu.matmul %convert_element_type3A_276, %get3A_26, %dot_general3A_280 {dimension_numbers = #tpu.dot_dimension_numbers<[1], [0], [0], [1], [0, 0, 1, 1], [], []>, transpose_lhs_hint = false} : vector<256x4096xf32>, vector<4096x3xf32>, vector<256x3xf32> -> vector<256x3xf32>
    %sub3A_282 = arith.subf %get3A_1, %dot_general3A_281 : vector<256x3xf32>
    %mul3A_283 = arith.mulf %sub3A_282, %sub3A_282 : vector<256x3xf32>
    %reduce_sum3A_284 = arith.constant dense<0.000000e+00> : vector<256xf32>
    %reduce_sum3A_285 = vector.multi_reduction <add>, %mul3A_283, %reduce_sum3A_284 [1] : vector<256x3xf32> to vector<256xf32>
    %broadcast_in_dim3A_286 = vector.shape_cast %reduce_sum3A_285 : vector<256xf32> to vector<256x1xf32>
    %add3A_287 = arith.constant 9.99999996E-13 : f32
    %add3A_288 = vector.broadcast %add3A_287 : f32 to vector<256x1xf32>
    %add3A_289 = arith.addf %broadcast_in_dim3A_286, %add3A_288 : vector<256x1xf32>
    %sqrt3A_290 = math.sqrt %add3A_289 : vector<256x1xf32>
    %dot_general3A_291 = arith.constant dense<0.000000e+00> : vector<256x128xf32>
    %dot_general3A_292 = tpu.matmul %dot_general3A_281, %get3A_39, %dot_general3A_291 {dimension_numbers = #tpu.dot_dimension_numbers<[1], [0], [0], [1], [0, 0, 1, 1], [], []>, transpose_lhs_hint = false} : vector<256x3xf32>, vector<3x128xf32>, vector<256x128xf32> -> vector<256x128xf32>
    %add3A_293 = arith.addf %add3A_36, %dot_general3A_292 : vector<256x128xf32>
    %mul3A_294 = vector.broadcast %sqrt3A_290 : vector<256x1xf32> to vector<256x128xf32>
    %mul3A_295 = vector.broadcast %get3A_42 : vector<1x128xf32> to vector<256x128xf32>
    %mul3A_296 = arith.mulf %mul3A_294, %mul3A_295 : vector<256x128xf32>
    %add3A_297 = arith.addf %add3A_293, %mul3A_296 : vector<256x128xf32>
    %max3A_298 = arith.constant 0.000000e+00 : f32
    %max3A_299 = vector.broadcast %max3A_298 : f32 to vector<256x128xf32>
    %max3A_300 = arith.maximumf %add3A_297, %max3A_299 : vector<256x128xf32>
    %swap3A_301 = arith.constant 0 : index
    %swap3A_302 = arith.constant 5 : index
    %swap3A_303 = arith.constant 0 : index
    %swap3A_304 = vector.load %arg12[%swap3A_301, %swap3A_302, %swap3A_303] : memref<256x16x128xf32, #tpu.memory_space<vmem>>, vector<256x1x128xf32>
    %swap3A_305 = vector.shape_cast %swap3A_304 : vector<256x1x128xf32> to vector<256x128xf32>
    %swap3A_306 = vector.shape_cast %max3A_300 : vector<256x128xf32> to vector<256x1x128xf32>
    tpu.vector_store %arg12[%swap3A_301, %swap3A_302, %swap3A_303], %swap3A_306 {strides = array<i32>} : memref<256x16x128xf32, #tpu.memory_space<vmem>>, vector<256x1x128xf32>,
    %reduce_min3A_307 = arith.constant dense<0x7F800000> : vector<256xf32>
    %reduce_min3A_308 = vector.multi_reduction <minimumf>, %select_n3A_279, %reduce_min3A_307 [1] : vector<256x4096xf32> to vector<256xf32>
    %broadcast_in_dim3A_309 = vector.shape_cast %reduce_min3A_308 : vector<256xf32> to vector<256x1xf32>
    %eq3A_310 = vector.broadcast %broadcast_in_dim3A_309 : vector<256x1xf32> to vector<256x4096xf32>
    %eq3A_311 = arith.cmpf oeq, %select_n3A_279, %eq3A_310 : vector<256x4096xf32>
    %jit3A_312 = arith.constant 4.096000e+03 : f32
    %broadcast_in_dim3A_313 = vector.broadcast %jit3A_312 : f32 to vector<256x4096xf32>
    %select_n3A_314 = arith.select %eq3A_311, %convert_element_type3A, %broadcast_in_dim3A_313 : vector<256x4096xi1>, vector<256x4096xf32>
    %reduce_min3A_315 = arith.constant dense<0x7F800000> : vector<256xf32>
    %reduce_min3A_316 = vector.multi_reduction <minimumf>, %select_n3A_314, %reduce_min3A_315 [1] : vector<256x4096xf32> to vector<256xf32>
    %broadcast_in_dim3A_317 = vector.shape_cast %reduce_min3A_316 : vector<256xf32> to vector<256x1xf32>
    %eq3A_318 = vector.broadcast %broadcast_in_dim3A_317 : vector<256x1xf32> to vector<256x4096xf32>
    %eq3A_319 = arith.cmpf oeq, %convert_element_type3A, %eq3A_318 : vector<256x4096xf32>
    %convert_element_type3A_320 = arith.extui %eq3A_319 : vector<256x4096xi1> to vector<256x4096xi32>
    %convert_element_type3A_321 = arith.sitofp %convert_element_type3A_320 : vector<256x4096xi32> to vector<256x4096xf32>
    %jit3A_322 = arith.constant 2.000000e+30 : f32
    %broadcast_in_dim3A_323 = vector.broadcast %jit3A_322 : f32 to vector<256x4096xf32>
    %select_n3A_324 = arith.select %eq3A_319, %broadcast_in_dim3A_323, %select_n3A_279 : vector<256x4096xi1>, vector<256x4096xf32>
    %dot_general3A_325 = arith.constant dense<0.000000e+00> : vector<256x3xf32>
    %dot_general3A_326 = tpu.matmul %convert_element_type3A_321, %get3A_26, %dot_general3A_325 {dimension_numbers = #tpu.dot_dimension_numbers<[1], [0], [0], [1], [0, 0, 1, 1], [], []>, transpose_lhs_hint = false} : vector<256x4096xf32>, vector<4096x3xf32>, vector<256x3xf32> -> vector<256x3xf32>
    %sub3A_327 = arith.subf %get3A_1, %dot_general3A_326 : vector<256x3xf32>
    %mul3A_328 = arith.mulf %sub3A_327, %sub3A_327 : vector<256x3xf32>
    %reduce_sum3A_329 = arith.constant dense<0.000000e+00> : vector<256xf32>
    %reduce_sum3A_330 = vector.multi_reduction <add>, %mul3A_328, %reduce_sum3A_329 [1] : vector<256x3xf32> to vector<256xf32>
    %broadcast_in_dim3A_331 = vector.shape_cast %reduce_sum3A_330 : vector<256xf32> to vector<256x1xf32>
    %add3A_332 = arith.constant 9.99999996E-13 : f32
    %add3A_333 = vector.broadcast %add3A_332 : f32 to vector<256x1xf32>
    %add3A_334 = arith.addf %broadcast_in_dim3A_331, %add3A_333 : vector<256x1xf32>
    %sqrt3A_335 = math.sqrt %add3A_334 : vector<256x1xf32>
    %dot_general3A_336 = arith.constant dense<0.000000e+00> : vector<256x128xf32>
    %dot_general3A_337 = tpu.matmul %dot_general3A_326, %get3A_39, %dot_general3A_336 {dimension_numbers = #tpu.dot_dimension_numbers<[1], [0], [0], [1], [0, 0, 1, 1], [], []>, transpose_lhs_hint = false} : vector<256x3xf32>, vector<3x128xf32>, vector<256x128xf32> -> vector<256x128xf32>
    %add3A_338 = arith.addf %add3A_36, %dot_general3A_337 : vector<256x128xf32>
    %mul3A_339 = vector.broadcast %sqrt3A_335 : vector<256x1xf32> to vector<256x128xf32>
    %mul3A_340 = vector.broadcast %get3A_42 : vector<1x128xf32> to vector<256x128xf32>
    %mul3A_341 = arith.mulf %mul3A_339, %mul3A_340 : vector<256x128xf32>
    %add3A_342 = arith.addf %add3A_338, %mul3A_341 : vector<256x128xf32>
    %max3A_343 = arith.constant 0.000000e+00 : f32
    %max3A_344 = vector.broadcast %max3A_343 : f32 to vector<256x128xf32>
    %max3A_345 = arith.maximumf %add3A_342, %max3A_344 : vector<256x128xf32>
    %swap3A_346 = arith.constant 0 : index
    %swap3A_347 = arith.constant 6 : index
    %swap3A_348 = arith.constant 0 : index
    %swap3A_349 = vector.load %arg12[%swap3A_346, %swap3A_347, %swap3A_348] : memref<256x16x128xf32, #tpu.memory_space<vmem>>, vector<256x1x128xf32>
    %swap3A_350 = vector.shape_cast %swap3A_349 : vector<256x1x128xf32> to vector<256x128xf32>
    %swap3A_351 = vector.shape_cast %max3A_345 : vector<256x128xf32> to vector<256x1x128xf32>
    tpu.vector_store %arg12[%swap3A_346, %swap3A_347, %swap3A_348], %swap3A_351 {strides = array<i32>} : memref<256x16x128xf32, #tpu.memory_space<vmem>>, vector<256x1x128xf32>,
    %reduce_min3A_352 = arith.constant dense<0x7F800000> : vector<256xf32>
    %reduce_min3A_353 = vector.multi_reduction <minimumf>, %select_n3A_324, %reduce_min3A_352 [1] : vector<256x4096xf32> to vector<256xf32>
    %broadcast_in_dim3A_354 = vector.shape_cast %reduce_min3A_353 : vector<256xf32> to vector<256x1xf32>
    %eq3A_355 = vector.broadcast %broadcast_in_dim3A_354 : vector<256x1xf32> to vector<256x4096xf32>
    %eq3A_356 = arith.cmpf oeq, %select_n3A_324, %eq3A_355 : vector<256x4096xf32>
    %jit3A_357 = arith.constant 4.096000e+03 : f32
    %broadcast_in_dim3A_358 = vector.broadcast %jit3A_357 : f32 to vector<256x4096xf32>
    %select_n3A_359 = arith.select %eq3A_356, %convert_element_type3A, %broadcast_in_dim3A_358 : vector<256x4096xi1>, vector<256x4096xf32>
    %reduce_min3A_360 = arith.constant dense<0x7F800000> : vector<256xf32>
    %reduce_min3A_361 = vector.multi_reduction <minimumf>, %select_n3A_359, %reduce_min3A_360 [1] : vector<256x4096xf32> to vector<256xf32>
    %broadcast_in_dim3A_362 = vector.shape_cast %reduce_min3A_361 : vector<256xf32> to vector<256x1xf32>
    %eq3A_363 = vector.broadcast %broadcast_in_dim3A_362 : vector<256x1xf32> to vector<256x4096xf32>
    %eq3A_364 = arith.cmpf oeq, %convert_element_type3A, %eq3A_363 : vector<256x4096xf32>
    %convert_element_type3A_365 = arith.extui %eq3A_364 : vector<256x4096xi1> to vector<256x4096xi32>
    %convert_element_type3A_366 = arith.sitofp %convert_element_type3A_365 : vector<256x4096xi32> to vector<256x4096xf32>
    %jit3A_367 = arith.constant 2.000000e+30 : f32
    %broadcast_in_dim3A_368 = vector.broadcast %jit3A_367 : f32 to vector<256x4096xf32>
    %select_n3A_369 = arith.select %eq3A_364, %broadcast_in_dim3A_368, %select_n3A_324 : vector<256x4096xi1>, vector<256x4096xf32>
    %dot_general3A_370 = arith.constant dense<0.000000e+00> : vector<256x3xf32>
    %dot_general3A_371 = tpu.matmul %convert_element_type3A_366, %get3A_26, %dot_general3A_370 {dimension_numbers = #tpu.dot_dimension_numbers<[1], [0], [0], [1], [0, 0, 1, 1], [], []>, transpose_lhs_hint = false} : vector<256x4096xf32>, vector<4096x3xf32>, vector<256x3xf32> -> vector<256x3xf32>
    %sub3A_372 = arith.subf %get3A_1, %dot_general3A_371 : vector<256x3xf32>
    %mul3A_373 = arith.mulf %sub3A_372, %sub3A_372 : vector<256x3xf32>
    %reduce_sum3A_374 = arith.constant dense<0.000000e+00> : vector<256xf32>
    %reduce_sum3A_375 = vector.multi_reduction <add>, %mul3A_373, %reduce_sum3A_374 [1] : vector<256x3xf32> to vector<256xf32>
    %broadcast_in_dim3A_376 = vector.shape_cast %reduce_sum3A_375 : vector<256xf32> to vector<256x1xf32>
    %add3A_377 = arith.constant 9.99999996E-13 : f32
    %add3A_378 = vector.broadcast %add3A_377 : f32 to vector<256x1xf32>
    %add3A_379 = arith.addf %broadcast_in_dim3A_376, %add3A_378 : vector<256x1xf32>
    %sqrt3A_380 = math.sqrt %add3A_379 : vector<256x1xf32>
    %dot_general3A_381 = arith.constant dense<0.000000e+00> : vector<256x128xf32>
    %dot_general3A_382 = tpu.matmul %dot_general3A_371, %get3A_39, %dot_general3A_381 {dimension_numbers = #tpu.dot_dimension_numbers<[1], [0], [0], [1], [0, 0, 1, 1], [], []>, transpose_lhs_hint = false} : vector<256x3xf32>, vector<3x128xf32>, vector<256x128xf32> -> vector<256x128xf32>
    %add3A_383 = arith.addf %add3A_36, %dot_general3A_382 : vector<256x128xf32>
    %mul3A_384 = vector.broadcast %sqrt3A_380 : vector<256x1xf32> to vector<256x128xf32>
    %mul3A_385 = vector.broadcast %get3A_42 : vector<1x128xf32> to vector<256x128xf32>
    %mul3A_386 = arith.mulf %mul3A_384, %mul3A_385 : vector<256x128xf32>
    %add3A_387 = arith.addf %add3A_383, %mul3A_386 : vector<256x128xf32>
    %max3A_388 = arith.constant 0.000000e+00 : f32
    %max3A_389 = vector.broadcast %max3A_388 : f32 to vector<256x128xf32>
    %max3A_390 = arith.maximumf %add3A_387, %max3A_389 : vector<256x128xf32>
    %swap3A_391 = arith.constant 0 : index
    %swap3A_392 = arith.constant 7 : index
    %swap3A_393 = arith.constant 0 : index
    %swap3A_394 = vector.load %arg12[%swap3A_391, %swap3A_392, %swap3A_393] : memref<256x16x128xf32, #tpu.memory_space<vmem>>, vector<256x1x128xf32>
    %swap3A_395 = vector.shape_cast %swap3A_394 : vector<256x1x128xf32> to vector<256x128xf32>
    %swap3A_396 = vector.shape_cast %max3A_390 : vector<256x128xf32> to vector<256x1x128xf32>
    tpu.vector_store %arg12[%swap3A_391, %swap3A_392, %swap3A_393], %swap3A_396 {strides = array<i32>} : memref<256x16x128xf32, #tpu.memory_space<vmem>>, vector<256x1x128xf32>,
    %reduce_min3A_397 = arith.constant dense<0x7F800000> : vector<256xf32>
    %reduce_min3A_398 = vector.multi_reduction <minimumf>, %select_n3A_369, %reduce_min3A_397 [1] : vector<256x4096xf32> to vector<256xf32>
    %broadcast_in_dim3A_399 = vector.shape_cast %reduce_min3A_398 : vector<256xf32> to vector<256x1xf32>
    %eq3A_400 = vector.broadcast %broadcast_in_dim3A_399 : vector<256x1xf32> to vector<256x4096xf32>
    %eq3A_401 = arith.cmpf oeq, %select_n3A_369, %eq3A_400 : vector<256x4096xf32>
    %jit3A_402 = arith.constant 4.096000e+03 : f32
    %broadcast_in_dim3A_403 = vector.broadcast %jit3A_402 : f32 to vector<256x4096xf32>
    %select_n3A_404 = arith.select %eq3A_401, %convert_element_type3A, %broadcast_in_dim3A_403 : vector<256x4096xi1>, vector<256x4096xf32>
    %reduce_min3A_405 = arith.constant dense<0x7F800000> : vector<256xf32>
    %reduce_min3A_406 = vector.multi_reduction <minimumf>, %select_n3A_404, %reduce_min3A_405 [1] : vector<256x4096xf32> to vector<256xf32>
    %broadcast_in_dim3A_407 = vector.shape_cast %reduce_min3A_406 : vector<256xf32> to vector<256x1xf32>
    %eq3A_408 = vector.broadcast %broadcast_in_dim3A_407 : vector<256x1xf32> to vector<256x4096xf32>
    %eq3A_409 = arith.cmpf oeq, %convert_element_type3A, %eq3A_408 : vector<256x4096xf32>
    %convert_element_type3A_410 = arith.extui %eq3A_409 : vector<256x4096xi1> to vector<256x4096xi32>
    %convert_element_type3A_411 = arith.sitofp %convert_element_type3A_410 : vector<256x4096xi32> to vector<256x4096xf32>
    %jit3A_412 = arith.constant 2.000000e+30 : f32
    %broadcast_in_dim3A_413 = vector.broadcast %jit3A_412 : f32 to vector<256x4096xf32>
    %select_n3A_414 = arith.select %eq3A_409, %broadcast_in_dim3A_413, %select_n3A_369 : vector<256x4096xi1>, vector<256x4096xf32>
    %dot_general3A_415 = arith.constant dense<0.000000e+00> : vector<256x3xf32>
    %dot_general3A_416 = tpu.matmul %convert_element_type3A_411, %get3A_26, %dot_general3A_415 {dimension_numbers = #tpu.dot_dimension_numbers<[1], [0], [0], [1], [0, 0, 1, 1], [], []>, transpose_lhs_hint = false} : vector<256x4096xf32>, vector<4096x3xf32>, vector<256x3xf32> -> vector<256x3xf32>
    %sub3A_417 = arith.subf %get3A_1, %dot_general3A_416 : vector<256x3xf32>
    %mul3A_418 = arith.mulf %sub3A_417, %sub3A_417 : vector<256x3xf32>
    %reduce_sum3A_419 = arith.constant dense<0.000000e+00> : vector<256xf32>
    %reduce_sum3A_420 = vector.multi_reduction <add>, %mul3A_418, %reduce_sum3A_419 [1] : vector<256x3xf32> to vector<256xf32>
    %broadcast_in_dim3A_421 = vector.shape_cast %reduce_sum3A_420 : vector<256xf32> to vector<256x1xf32>
    %add3A_422 = arith.constant 9.99999996E-13 : f32
    %add3A_423 = vector.broadcast %add3A_422 : f32 to vector<256x1xf32>
    %add3A_424 = arith.addf %broadcast_in_dim3A_421, %add3A_423 : vector<256x1xf32>
    %sqrt3A_425 = math.sqrt %add3A_424 : vector<256x1xf32>
    %dot_general3A_426 = arith.constant dense<0.000000e+00> : vector<256x128xf32>
    %dot_general3A_427 = tpu.matmul %dot_general3A_416, %get3A_39, %dot_general3A_426 {dimension_numbers = #tpu.dot_dimension_numbers<[1], [0], [0], [1], [0, 0, 1, 1], [], []>, transpose_lhs_hint = false} : vector<256x3xf32>, vector<3x128xf32>, vector<256x128xf32> -> vector<256x128xf32>
    %add3A_428 = arith.addf %add3A_36, %dot_general3A_427 : vector<256x128xf32>
    %mul3A_429 = vector.broadcast %sqrt3A_425 : vector<256x1xf32> to vector<256x128xf32>
    %mul3A_430 = vector.broadcast %get3A_42 : vector<1x128xf32> to vector<256x128xf32>
    %mul3A_431 = arith.mulf %mul3A_429, %mul3A_430 : vector<256x128xf32>
    %add3A_432 = arith.addf %add3A_428, %mul3A_431 : vector<256x128xf32>
    %max3A_433 = arith.constant 0.000000e+00 : f32
    %max3A_434 = vector.broadcast %max3A_433 : f32 to vector<256x128xf32>
    %max3A_435 = arith.maximumf %add3A_432, %max3A_434 : vector<256x128xf32>
    %swap3A_436 = arith.constant 0 : index
    %swap3A_437 = arith.constant 8 : index
    %swap3A_438 = arith.constant 0 : index
    %swap3A_439 = vector.load %arg12[%swap3A_436, %swap3A_437, %swap3A_438] : memref<256x16x128xf32, #tpu.memory_space<vmem>>, vector<256x1x128xf32>
    %swap3A_440 = vector.shape_cast %swap3A_439 : vector<256x1x128xf32> to vector<256x128xf32>
    %swap3A_441 = vector.shape_cast %max3A_435 : vector<256x128xf32> to vector<256x1x128xf32>
    tpu.vector_store %arg12[%swap3A_436, %swap3A_437, %swap3A_438], %swap3A_441 {strides = array<i32>} : memref<256x16x128xf32, #tpu.memory_space<vmem>>, vector<256x1x128xf32>,
    %reduce_min3A_442 = arith.constant dense<0x7F800000> : vector<256xf32>
    %reduce_min3A_443 = vector.multi_reduction <minimumf>, %select_n3A_414, %reduce_min3A_442 [1] : vector<256x4096xf32> to vector<256xf32>
    %broadcast_in_dim3A_444 = vector.shape_cast %reduce_min3A_443 : vector<256xf32> to vector<256x1xf32>
    %eq3A_445 = vector.broadcast %broadcast_in_dim3A_444 : vector<256x1xf32> to vector<256x4096xf32>
    %eq3A_446 = arith.cmpf oeq, %select_n3A_414, %eq3A_445 : vector<256x4096xf32>
    %jit3A_447 = arith.constant 4.096000e+03 : f32
    %broadcast_in_dim3A_448 = vector.broadcast %jit3A_447 : f32 to vector<256x4096xf32>
    %select_n3A_449 = arith.select %eq3A_446, %convert_element_type3A, %broadcast_in_dim3A_448 : vector<256x4096xi1>, vector<256x4096xf32>
    %reduce_min3A_450 = arith.constant dense<0x7F800000> : vector<256xf32>
    %reduce_min3A_451 = vector.multi_reduction <minimumf>, %select_n3A_449, %reduce_min3A_450 [1] : vector<256x4096xf32> to vector<256xf32>
    %broadcast_in_dim3A_452 = vector.shape_cast %reduce_min3A_451 : vector<256xf32> to vector<256x1xf32>
    %eq3A_453 = vector.broadcast %broadcast_in_dim3A_452 : vector<256x1xf32> to vector<256x4096xf32>
    %eq3A_454 = arith.cmpf oeq, %convert_element_type3A, %eq3A_453 : vector<256x4096xf32>
    %convert_element_type3A_455 = arith.extui %eq3A_454 : vector<256x4096xi1> to vector<256x4096xi32>
    %convert_element_type3A_456 = arith.sitofp %convert_element_type3A_455 : vector<256x4096xi32> to vector<256x4096xf32>
    %jit3A_457 = arith.constant 2.000000e+30 : f32
    %broadcast_in_dim3A_458 = vector.broadcast %jit3A_457 : f32 to vector<256x4096xf32>
    %select_n3A_459 = arith.select %eq3A_454, %broadcast_in_dim3A_458, %select_n3A_414 : vector<256x4096xi1>, vector<256x4096xf32>
    %dot_general3A_460 = arith.constant dense<0.000000e+00> : vector<256x3xf32>
    %dot_general3A_461 = tpu.matmul %convert_element_type3A_456, %get3A_26, %dot_general3A_460 {dimension_numbers = #tpu.dot_dimension_numbers<[1], [0], [0], [1], [0, 0, 1, 1], [], []>, transpose_lhs_hint = false} : vector<256x4096xf32>, vector<4096x3xf32>, vector<256x3xf32> -> vector<256x3xf32>
    %sub3A_462 = arith.subf %get3A_1, %dot_general3A_461 : vector<256x3xf32>
    %mul3A_463 = arith.mulf %sub3A_462, %sub3A_462 : vector<256x3xf32>
    %reduce_sum3A_464 = arith.constant dense<0.000000e+00> : vector<256xf32>
    %reduce_sum3A_465 = vector.multi_reduction <add>, %mul3A_463, %reduce_sum3A_464 [1] : vector<256x3xf32> to vector<256xf32>
    %broadcast_in_dim3A_466 = vector.shape_cast %reduce_sum3A_465 : vector<256xf32> to vector<256x1xf32>
    %add3A_467 = arith.constant 9.99999996E-13 : f32
    %add3A_468 = vector.broadcast %add3A_467 : f32 to vector<256x1xf32>
    %add3A_469 = arith.addf %broadcast_in_dim3A_466, %add3A_468 : vector<256x1xf32>
    %sqrt3A_470 = math.sqrt %add3A_469 : vector<256x1xf32>
    %dot_general3A_471 = arith.constant dense<0.000000e+00> : vector<256x128xf32>
    %dot_general3A_472 = tpu.matmul %dot_general3A_461, %get3A_39, %dot_general3A_471 {dimension_numbers = #tpu.dot_dimension_numbers<[1], [0], [0], [1], [0, 0, 1, 1], [], []>, transpose_lhs_hint = false} : vector<256x3xf32>, vector<3x128xf32>, vector<256x128xf32> -> vector<256x128xf32>
    %add3A_473 = arith.addf %add3A_36, %dot_general3A_472 : vector<256x128xf32>
    %mul3A_474 = vector.broadcast %sqrt3A_470 : vector<256x1xf32> to vector<256x128xf32>
    %mul3A_475 = vector.broadcast %get3A_42 : vector<1x128xf32> to vector<256x128xf32>
    %mul3A_476 = arith.mulf %mul3A_474, %mul3A_475 : vector<256x128xf32>
    %add3A_477 = arith.addf %add3A_473, %mul3A_476 : vector<256x128xf32>
    %max3A_478 = arith.constant 0.000000e+00 : f32
    %max3A_479 = vector.broadcast %max3A_478 : f32 to vector<256x128xf32>
    %max3A_480 = arith.maximumf %add3A_477, %max3A_479 : vector<256x128xf32>
    %swap3A_481 = arith.constant 0 : index
    %swap3A_482 = arith.constant 9 : index
    %swap3A_483 = arith.constant 0 : index
    %swap3A_484 = vector.load %arg12[%swap3A_481, %swap3A_482, %swap3A_483] : memref<256x16x128xf32, #tpu.memory_space<vmem>>, vector<256x1x128xf32>
    %swap3A_485 = vector.shape_cast %swap3A_484 : vector<256x1x128xf32> to vector<256x128xf32>
    %swap3A_486 = vector.shape_cast %max3A_480 : vector<256x128xf32> to vector<256x1x128xf32>
    tpu.vector_store %arg12[%swap3A_481, %swap3A_482, %swap3A_483], %swap3A_486 {strides = array<i32>} : memref<256x16x128xf32, #tpu.memory_space<vmem>>, vector<256x1x128xf32>,
    %reduce_min3A_487 = arith.constant dense<0x7F800000> : vector<256xf32>
    %reduce_min3A_488 = vector.multi_reduction <minimumf>, %select_n3A_459, %reduce_min3A_487 [1] : vector<256x4096xf32> to vector<256xf32>
    %broadcast_in_dim3A_489 = vector.shape_cast %reduce_min3A_488 : vector<256xf32> to vector<256x1xf32>
    %eq3A_490 = vector.broadcast %broadcast_in_dim3A_489 : vector<256x1xf32> to vector<256x4096xf32>
    %eq3A_491 = arith.cmpf oeq, %select_n3A_459, %eq3A_490 : vector<256x4096xf32>
    %jit3A_492 = arith.constant 4.096000e+03 : f32
    %broadcast_in_dim3A_493 = vector.broadcast %jit3A_492 : f32 to vector<256x4096xf32>
    %select_n3A_494 = arith.select %eq3A_491, %convert_element_type3A, %broadcast_in_dim3A_493 : vector<256x4096xi1>, vector<256x4096xf32>
    %reduce_min3A_495 = arith.constant dense<0x7F800000> : vector<256xf32>
    %reduce_min3A_496 = vector.multi_reduction <minimumf>, %select_n3A_494, %reduce_min3A_495 [1] : vector<256x4096xf32> to vector<256xf32>
    %broadcast_in_dim3A_497 = vector.shape_cast %reduce_min3A_496 : vector<256xf32> to vector<256x1xf32>
    %eq3A_498 = vector.broadcast %broadcast_in_dim3A_497 : vector<256x1xf32> to vector<256x4096xf32>
    %eq3A_499 = arith.cmpf oeq, %convert_element_type3A, %eq3A_498 : vector<256x4096xf32>
    %convert_element_type3A_500 = arith.extui %eq3A_499 : vector<256x4096xi1> to vector<256x4096xi32>
    %convert_element_type3A_501 = arith.sitofp %convert_element_type3A_500 : vector<256x4096xi32> to vector<256x4096xf32>
    %jit3A_502 = arith.constant 2.000000e+30 : f32
    %broadcast_in_dim3A_503 = vector.broadcast %jit3A_502 : f32 to vector<256x4096xf32>
    %select_n3A_504 = arith.select %eq3A_499, %broadcast_in_dim3A_503, %select_n3A_459 : vector<256x4096xi1>, vector<256x4096xf32>
    %dot_general3A_505 = arith.constant dense<0.000000e+00> : vector<256x3xf32>
    %dot_general3A_506 = tpu.matmul %convert_element_type3A_501, %get3A_26, %dot_general3A_505 {dimension_numbers = #tpu.dot_dimension_numbers<[1], [0], [0], [1], [0, 0, 1, 1], [], []>, transpose_lhs_hint = false} : vector<256x4096xf32>, vector<4096x3xf32>, vector<256x3xf32> -> vector<256x3xf32>
    %sub3A_507 = arith.subf %get3A_1, %dot_general3A_506 : vector<256x3xf32>
    %mul3A_508 = arith.mulf %sub3A_507, %sub3A_507 : vector<256x3xf32>
    %reduce_sum3A_509 = arith.constant dense<0.000000e+00> : vector<256xf32>
    %reduce_sum3A_510 = vector.multi_reduction <add>, %mul3A_508, %reduce_sum3A_509 [1] : vector<256x3xf32> to vector<256xf32>
    %broadcast_in_dim3A_511 = vector.shape_cast %reduce_sum3A_510 : vector<256xf32> to vector<256x1xf32>
    %add3A_512 = arith.constant 9.99999996E-13 : f32
    %add3A_513 = vector.broadcast %add3A_512 : f32 to vector<256x1xf32>
    %add3A_514 = arith.addf %broadcast_in_dim3A_511, %add3A_513 : vector<256x1xf32>
    %sqrt3A_515 = math.sqrt %add3A_514 : vector<256x1xf32>
    %dot_general3A_516 = arith.constant dense<0.000000e+00> : vector<256x128xf32>
    %dot_general3A_517 = tpu.matmul %dot_general3A_506, %get3A_39, %dot_general3A_516 {dimension_numbers = #tpu.dot_dimension_numbers<[1], [0], [0], [1], [0, 0, 1, 1], [], []>, transpose_lhs_hint = false} : vector<256x3xf32>, vector<3x128xf32>, vector<256x128xf32> -> vector<256x128xf32>
    %add3A_518 = arith.addf %add3A_36, %dot_general3A_517 : vector<256x128xf32>
    %mul3A_519 = vector.broadcast %sqrt3A_515 : vector<256x1xf32> to vector<256x128xf32>
    %mul3A_520 = vector.broadcast %get3A_42 : vector<1x128xf32> to vector<256x128xf32>
    %mul3A_521 = arith.mulf %mul3A_519, %mul3A_520 : vector<256x128xf32>
    %add3A_522 = arith.addf %add3A_518, %mul3A_521 : vector<256x128xf32>
    %max3A_523 = arith.constant 0.000000e+00 : f32
    %max3A_524 = vector.broadcast %max3A_523 : f32 to vector<256x128xf32>
    %max3A_525 = arith.maximumf %add3A_522, %max3A_524 : vector<256x128xf32>
    %swap3A_526 = arith.constant 0 : index
    %swap3A_527 = arith.constant 10 : index
    %swap3A_528 = arith.constant 0 : index
    %swap3A_529 = vector.load %arg12[%swap3A_526, %swap3A_527, %swap3A_528] : memref<256x16x128xf32, #tpu.memory_space<vmem>>, vector<256x1x128xf32>
    %swap3A_530 = vector.shape_cast %swap3A_529 : vector<256x1x128xf32> to vector<256x128xf32>
    %swap3A_531 = vector.shape_cast %max3A_525 : vector<256x128xf32> to vector<256x1x128xf32>
    tpu.vector_store %arg12[%swap3A_526, %swap3A_527, %swap3A_528], %swap3A_531 {strides = array<i32>} : memref<256x16x128xf32, #tpu.memory_space<vmem>>, vector<256x1x128xf32>,
    %reduce_min3A_532 = arith.constant dense<0x7F800000> : vector<256xf32>
    %reduce_min3A_533 = vector.multi_reduction <minimumf>, %select_n3A_504, %reduce_min3A_532 [1] : vector<256x4096xf32> to vector<256xf32>
    %broadcast_in_dim3A_534 = vector.shape_cast %reduce_min3A_533 : vector<256xf32> to vector<256x1xf32>
    %eq3A_535 = vector.broadcast %broadcast_in_dim3A_534 : vector<256x1xf32> to vector<256x4096xf32>
    %eq3A_536 = arith.cmpf oeq, %select_n3A_504, %eq3A_535 : vector<256x4096xf32>
    %jit3A_537 = arith.constant 4.096000e+03 : f32
    %broadcast_in_dim3A_538 = vector.broadcast %jit3A_537 : f32 to vector<256x4096xf32>
    %select_n3A_539 = arith.select %eq3A_536, %convert_element_type3A, %broadcast_in_dim3A_538 : vector<256x4096xi1>, vector<256x4096xf32>
    %reduce_min3A_540 = arith.constant dense<0x7F800000> : vector<256xf32>
    %reduce_min3A_541 = vector.multi_reduction <minimumf>, %select_n3A_539, %reduce_min3A_540 [1] : vector<256x4096xf32> to vector<256xf32>
    %broadcast_in_dim3A_542 = vector.shape_cast %reduce_min3A_541 : vector<256xf32> to vector<256x1xf32>
    %eq3A_543 = vector.broadcast %broadcast_in_dim3A_542 : vector<256x1xf32> to vector<256x4096xf32>
    %eq3A_544 = arith.cmpf oeq, %convert_element_type3A, %eq3A_543 : vector<256x4096xf32>
    %convert_element_type3A_545 = arith.extui %eq3A_544 : vector<256x4096xi1> to vector<256x4096xi32>
    %convert_element_type3A_546 = arith.sitofp %convert_element_type3A_545 : vector<256x4096xi32> to vector<256x4096xf32>
    %jit3A_547 = arith.constant 2.000000e+30 : f32
    %broadcast_in_dim3A_548 = vector.broadcast %jit3A_547 : f32 to vector<256x4096xf32>
    %select_n3A_549 = arith.select %eq3A_544, %broadcast_in_dim3A_548, %select_n3A_504 : vector<256x4096xi1>, vector<256x4096xf32>
    %dot_general3A_550 = arith.constant dense<0.000000e+00> : vector<256x3xf32>
    %dot_general3A_551 = tpu.matmul %convert_element_type3A_546, %get3A_26, %dot_general3A_550 {dimension_numbers = #tpu.dot_dimension_numbers<[1], [0], [0], [1], [0, 0, 1, 1], [], []>, transpose_lhs_hint = false} : vector<256x4096xf32>, vector<4096x3xf32>, vector<256x3xf32> -> vector<256x3xf32>
    %sub3A_552 = arith.subf %get3A_1, %dot_general3A_551 : vector<256x3xf32>
    %mul3A_553 = arith.mulf %sub3A_552, %sub3A_552 : vector<256x3xf32>
    %reduce_sum3A_554 = arith.constant dense<0.000000e+00> : vector<256xf32>
    %reduce_sum3A_555 = vector.multi_reduction <add>, %mul3A_553, %reduce_sum3A_554 [1] : vector<256x3xf32> to vector<256xf32>
    %broadcast_in_dim3A_556 = vector.shape_cast %reduce_sum3A_555 : vector<256xf32> to vector<256x1xf32>
    %add3A_557 = arith.constant 9.99999996E-13 : f32
    %add3A_558 = vector.broadcast %add3A_557 : f32 to vector<256x1xf32>
    %add3A_559 = arith.addf %broadcast_in_dim3A_556, %add3A_558 : vector<256x1xf32>
    %sqrt3A_560 = math.sqrt %add3A_559 : vector<256x1xf32>
    %dot_general3A_561 = arith.constant dense<0.000000e+00> : vector<256x128xf32>
    %dot_general3A_562 = tpu.matmul %dot_general3A_551, %get3A_39, %dot_general3A_561 {dimension_numbers = #tpu.dot_dimension_numbers<[1], [0], [0], [1], [0, 0, 1, 1], [], []>, transpose_lhs_hint = false} : vector<256x3xf32>, vector<3x128xf32>, vector<256x128xf32> -> vector<256x128xf32>
    %add3A_563 = arith.addf %add3A_36, %dot_general3A_562 : vector<256x128xf32>
    %mul3A_564 = vector.broadcast %sqrt3A_560 : vector<256x1xf32> to vector<256x128xf32>
    %mul3A_565 = vector.broadcast %get3A_42 : vector<1x128xf32> to vector<256x128xf32>
    %mul3A_566 = arith.mulf %mul3A_564, %mul3A_565 : vector<256x128xf32>
    %add3A_567 = arith.addf %add3A_563, %mul3A_566 : vector<256x128xf32>
    %max3A_568 = arith.constant 0.000000e+00 : f32
    %max3A_569 = vector.broadcast %max3A_568 : f32 to vector<256x128xf32>
    %max3A_570 = arith.maximumf %add3A_567, %max3A_569 : vector<256x128xf32>
    %swap3A_571 = arith.constant 0 : index
    %swap3A_572 = arith.constant 11 : index
    %swap3A_573 = arith.constant 0 : index
    %swap3A_574 = vector.load %arg12[%swap3A_571, %swap3A_572, %swap3A_573] : memref<256x16x128xf32, #tpu.memory_space<vmem>>, vector<256x1x128xf32>
    %swap3A_575 = vector.shape_cast %swap3A_574 : vector<256x1x128xf32> to vector<256x128xf32>
    %swap3A_576 = vector.shape_cast %max3A_570 : vector<256x128xf32> to vector<256x1x128xf32>
    tpu.vector_store %arg12[%swap3A_571, %swap3A_572, %swap3A_573], %swap3A_576 {strides = array<i32>} : memref<256x16x128xf32, #tpu.memory_space<vmem>>, vector<256x1x128xf32>,
    %reduce_min3A_577 = arith.constant dense<0x7F800000> : vector<256xf32>
    %reduce_min3A_578 = vector.multi_reduction <minimumf>, %select_n3A_549, %reduce_min3A_577 [1] : vector<256x4096xf32> to vector<256xf32>
    %broadcast_in_dim3A_579 = vector.shape_cast %reduce_min3A_578 : vector<256xf32> to vector<256x1xf32>
    %eq3A_580 = vector.broadcast %broadcast_in_dim3A_579 : vector<256x1xf32> to vector<256x4096xf32>
    %eq3A_581 = arith.cmpf oeq, %select_n3A_549, %eq3A_580 : vector<256x4096xf32>
    %jit3A_582 = arith.constant 4.096000e+03 : f32
    %broadcast_in_dim3A_583 = vector.broadcast %jit3A_582 : f32 to vector<256x4096xf32>
    %select_n3A_584 = arith.select %eq3A_581, %convert_element_type3A, %broadcast_in_dim3A_583 : vector<256x4096xi1>, vector<256x4096xf32>
    %reduce_min3A_585 = arith.constant dense<0x7F800000> : vector<256xf32>
    %reduce_min3A_586 = vector.multi_reduction <minimumf>, %select_n3A_584, %reduce_min3A_585 [1] : vector<256x4096xf32> to vector<256xf32>
    %broadcast_in_dim3A_587 = vector.shape_cast %reduce_min3A_586 : vector<256xf32> to vector<256x1xf32>
    %eq3A_588 = vector.broadcast %broadcast_in_dim3A_587 : vector<256x1xf32> to vector<256x4096xf32>
    %eq3A_589 = arith.cmpf oeq, %convert_element_type3A, %eq3A_588 : vector<256x4096xf32>
    %convert_element_type3A_590 = arith.extui %eq3A_589 : vector<256x4096xi1> to vector<256x4096xi32>
    %convert_element_type3A_591 = arith.sitofp %convert_element_type3A_590 : vector<256x4096xi32> to vector<256x4096xf32>
    %jit3A_592 = arith.constant 2.000000e+30 : f32
    %broadcast_in_dim3A_593 = vector.broadcast %jit3A_592 : f32 to vector<256x4096xf32>
    %select_n3A_594 = arith.select %eq3A_589, %broadcast_in_dim3A_593, %select_n3A_549 : vector<256x4096xi1>, vector<256x4096xf32>
    %dot_general3A_595 = arith.constant dense<0.000000e+00> : vector<256x3xf32>
    %dot_general3A_596 = tpu.matmul %convert_element_type3A_591, %get3A_26, %dot_general3A_595 {dimension_numbers = #tpu.dot_dimension_numbers<[1], [0], [0], [1], [0, 0, 1, 1], [], []>, transpose_lhs_hint = false} : vector<256x4096xf32>, vector<4096x3xf32>, vector<256x3xf32> -> vector<256x3xf32>
    %sub3A_597 = arith.subf %get3A_1, %dot_general3A_596 : vector<256x3xf32>
    %mul3A_598 = arith.mulf %sub3A_597, %sub3A_597 : vector<256x3xf32>
    %reduce_sum3A_599 = arith.constant dense<0.000000e+00> : vector<256xf32>
    %reduce_sum3A_600 = vector.multi_reduction <add>, %mul3A_598, %reduce_sum3A_599 [1] : vector<256x3xf32> to vector<256xf32>
    %broadcast_in_dim3A_601 = vector.shape_cast %reduce_sum3A_600 : vector<256xf32> to vector<256x1xf32>
    %add3A_602 = arith.constant 9.99999996E-13 : f32
    %add3A_603 = vector.broadcast %add3A_602 : f32 to vector<256x1xf32>
    %add3A_604 = arith.addf %broadcast_in_dim3A_601, %add3A_603 : vector<256x1xf32>
    %sqrt3A_605 = math.sqrt %add3A_604 : vector<256x1xf32>
    %dot_general3A_606 = arith.constant dense<0.000000e+00> : vector<256x128xf32>
    %dot_general3A_607 = tpu.matmul %dot_general3A_596, %get3A_39, %dot_general3A_606 {dimension_numbers = #tpu.dot_dimension_numbers<[1], [0], [0], [1], [0, 0, 1, 1], [], []>, transpose_lhs_hint = false} : vector<256x3xf32>, vector<3x128xf32>, vector<256x128xf32> -> vector<256x128xf32>
    %add3A_608 = arith.addf %add3A_36, %dot_general3A_607 : vector<256x128xf32>
    %mul3A_609 = vector.broadcast %sqrt3A_605 : vector<256x1xf32> to vector<256x128xf32>
    %mul3A_610 = vector.broadcast %get3A_42 : vector<1x128xf32> to vector<256x128xf32>
    %mul3A_611 = arith.mulf %mul3A_609, %mul3A_610 : vector<256x128xf32>
    %add3A_612 = arith.addf %add3A_608, %mul3A_611 : vector<256x128xf32>
    %max3A_613 = arith.constant 0.000000e+00 : f32
    %max3A_614 = vector.broadcast %max3A_613 : f32 to vector<256x128xf32>
    %max3A_615 = arith.maximumf %add3A_612, %max3A_614 : vector<256x128xf32>
    %swap3A_616 = arith.constant 0 : index
    %swap3A_617 = arith.constant 12 : index
    %swap3A_618 = arith.constant 0 : index
    %swap3A_619 = vector.load %arg12[%swap3A_616, %swap3A_617, %swap3A_618] : memref<256x16x128xf32, #tpu.memory_space<vmem>>, vector<256x1x128xf32>
    %swap3A_620 = vector.shape_cast %swap3A_619 : vector<256x1x128xf32> to vector<256x128xf32>
    %swap3A_621 = vector.shape_cast %max3A_615 : vector<256x128xf32> to vector<256x1x128xf32>
    tpu.vector_store %arg12[%swap3A_616, %swap3A_617, %swap3A_618], %swap3A_621 {strides = array<i32>} : memref<256x16x128xf32, #tpu.memory_space<vmem>>, vector<256x1x128xf32>,
    %reduce_min3A_622 = arith.constant dense<0x7F800000> : vector<256xf32>
    %reduce_min3A_623 = vector.multi_reduction <minimumf>, %select_n3A_594, %reduce_min3A_622 [1] : vector<256x4096xf32> to vector<256xf32>
    %broadcast_in_dim3A_624 = vector.shape_cast %reduce_min3A_623 : vector<256xf32> to vector<256x1xf32>
    %eq3A_625 = vector.broadcast %broadcast_in_dim3A_624 : vector<256x1xf32> to vector<256x4096xf32>
    %eq3A_626 = arith.cmpf oeq, %select_n3A_594, %eq3A_625 : vector<256x4096xf32>
    %jit3A_627 = arith.constant 4.096000e+03 : f32
    %broadcast_in_dim3A_628 = vector.broadcast %jit3A_627 : f32 to vector<256x4096xf32>
    %select_n3A_629 = arith.select %eq3A_626, %convert_element_type3A, %broadcast_in_dim3A_628 : vector<256x4096xi1>, vector<256x4096xf32>
    %reduce_min3A_630 = arith.constant dense<0x7F800000> : vector<256xf32>
    %reduce_min3A_631 = vector.multi_reduction <minimumf>, %select_n3A_629, %reduce_min3A_630 [1] : vector<256x4096xf32> to vector<256xf32>
    %broadcast_in_dim3A_632 = vector.shape_cast %reduce_min3A_631 : vector<256xf32> to vector<256x1xf32>
    %eq3A_633 = vector.broadcast %broadcast_in_dim3A_632 : vector<256x1xf32> to vector<256x4096xf32>
    %eq3A_634 = arith.cmpf oeq, %convert_element_type3A, %eq3A_633 : vector<256x4096xf32>
    %convert_element_type3A_635 = arith.extui %eq3A_634 : vector<256x4096xi1> to vector<256x4096xi32>
    %convert_element_type3A_636 = arith.sitofp %convert_element_type3A_635 : vector<256x4096xi32> to vector<256x4096xf32>
    %jit3A_637 = arith.constant 2.000000e+30 : f32
    %broadcast_in_dim3A_638 = vector.broadcast %jit3A_637 : f32 to vector<256x4096xf32>
    %select_n3A_639 = arith.select %eq3A_634, %broadcast_in_dim3A_638, %select_n3A_594 : vector<256x4096xi1>, vector<256x4096xf32>
    %dot_general3A_640 = arith.constant dense<0.000000e+00> : vector<256x3xf32>
    %dot_general3A_641 = tpu.matmul %convert_element_type3A_636, %get3A_26, %dot_general3A_640 {dimension_numbers = #tpu.dot_dimension_numbers<[1], [0], [0], [1], [0, 0, 1, 1], [], []>, transpose_lhs_hint = false} : vector<256x4096xf32>, vector<4096x3xf32>, vector<256x3xf32> -> vector<256x3xf32>
    %sub3A_642 = arith.subf %get3A_1, %dot_general3A_641 : vector<256x3xf32>
    %mul3A_643 = arith.mulf %sub3A_642, %sub3A_642 : vector<256x3xf32>
    %reduce_sum3A_644 = arith.constant dense<0.000000e+00> : vector<256xf32>
    %reduce_sum3A_645 = vector.multi_reduction <add>, %mul3A_643, %reduce_sum3A_644 [1] : vector<256x3xf32> to vector<256xf32>
    %broadcast_in_dim3A_646 = vector.shape_cast %reduce_sum3A_645 : vector<256xf32> to vector<256x1xf32>
    %add3A_647 = arith.constant 9.99999996E-13 : f32
    %add3A_648 = vector.broadcast %add3A_647 : f32 to vector<256x1xf32>
    %add3A_649 = arith.addf %broadcast_in_dim3A_646, %add3A_648 : vector<256x1xf32>
    %sqrt3A_650 = math.sqrt %add3A_649 : vector<256x1xf32>
    %dot_general3A_651 = arith.constant dense<0.000000e+00> : vector<256x128xf32>
    %dot_general3A_652 = tpu.matmul %dot_general3A_641, %get3A_39, %dot_general3A_651 {dimension_numbers = #tpu.dot_dimension_numbers<[1], [0], [0], [1], [0, 0, 1, 1], [], []>, transpose_lhs_hint = false} : vector<256x3xf32>, vector<3x128xf32>, vector<256x128xf32> -> vector<256x128xf32>
    %add3A_653 = arith.addf %add3A_36, %dot_general3A_652 : vector<256x128xf32>
    %mul3A_654 = vector.broadcast %sqrt3A_650 : vector<256x1xf32> to vector<256x128xf32>
    %mul3A_655 = vector.broadcast %get3A_42 : vector<1x128xf32> to vector<256x128xf32>
    %mul3A_656 = arith.mulf %mul3A_654, %mul3A_655 : vector<256x128xf32>
    %add3A_657 = arith.addf %add3A_653, %mul3A_656 : vector<256x128xf32>
    %max3A_658 = arith.constant 0.000000e+00 : f32
    %max3A_659 = vector.broadcast %max3A_658 : f32 to vector<256x128xf32>
    %max3A_660 = arith.maximumf %add3A_657, %max3A_659 : vector<256x128xf32>
    %swap3A_661 = arith.constant 0 : index
    %swap3A_662 = arith.constant 13 : index
    %swap3A_663 = arith.constant 0 : index
    %swap3A_664 = vector.load %arg12[%swap3A_661, %swap3A_662, %swap3A_663] : memref<256x16x128xf32, #tpu.memory_space<vmem>>, vector<256x1x128xf32>
    %swap3A_665 = vector.shape_cast %swap3A_664 : vector<256x1x128xf32> to vector<256x128xf32>
    %swap3A_666 = vector.shape_cast %max3A_660 : vector<256x128xf32> to vector<256x1x128xf32>
    tpu.vector_store %arg12[%swap3A_661, %swap3A_662, %swap3A_663], %swap3A_666 {strides = array<i32>} : memref<256x16x128xf32, #tpu.memory_space<vmem>>, vector<256x1x128xf32>,
    %reduce_min3A_667 = arith.constant dense<0x7F800000> : vector<256xf32>
    %reduce_min3A_668 = vector.multi_reduction <minimumf>, %select_n3A_639, %reduce_min3A_667 [1] : vector<256x4096xf32> to vector<256xf32>
    %broadcast_in_dim3A_669 = vector.shape_cast %reduce_min3A_668 : vector<256xf32> to vector<256x1xf32>
    %eq3A_670 = vector.broadcast %broadcast_in_dim3A_669 : vector<256x1xf32> to vector<256x4096xf32>
    %eq3A_671 = arith.cmpf oeq, %select_n3A_639, %eq3A_670 : vector<256x4096xf32>
    %jit3A_672 = arith.constant 4.096000e+03 : f32
    %broadcast_in_dim3A_673 = vector.broadcast %jit3A_672 : f32 to vector<256x4096xf32>
    %select_n3A_674 = arith.select %eq3A_671, %convert_element_type3A, %broadcast_in_dim3A_673 : vector<256x4096xi1>, vector<256x4096xf32>
    %reduce_min3A_675 = arith.constant dense<0x7F800000> : vector<256xf32>
    %reduce_min3A_676 = vector.multi_reduction <minimumf>, %select_n3A_674, %reduce_min3A_675 [1] : vector<256x4096xf32> to vector<256xf32>
    %broadcast_in_dim3A_677 = vector.shape_cast %reduce_min3A_676 : vector<256xf32> to vector<256x1xf32>
    %eq3A_678 = vector.broadcast %broadcast_in_dim3A_677 : vector<256x1xf32> to vector<256x4096xf32>
    %eq3A_679 = arith.cmpf oeq, %convert_element_type3A, %eq3A_678 : vector<256x4096xf32>
    %convert_element_type3A_680 = arith.extui %eq3A_679 : vector<256x4096xi1> to vector<256x4096xi32>
    %convert_element_type3A_681 = arith.sitofp %convert_element_type3A_680 : vector<256x4096xi32> to vector<256x4096xf32>
    %jit3A_682 = arith.constant 2.000000e+30 : f32
    %broadcast_in_dim3A_683 = vector.broadcast %jit3A_682 : f32 to vector<256x4096xf32>
    %select_n3A_684 = arith.select %eq3A_679, %broadcast_in_dim3A_683, %select_n3A_639 : vector<256x4096xi1>, vector<256x4096xf32>
    %dot_general3A_685 = arith.constant dense<0.000000e+00> : vector<256x3xf32>
    %dot_general3A_686 = tpu.matmul %convert_element_type3A_681, %get3A_26, %dot_general3A_685 {dimension_numbers = #tpu.dot_dimension_numbers<[1], [0], [0], [1], [0, 0, 1, 1], [], []>, transpose_lhs_hint = false} : vector<256x4096xf32>, vector<4096x3xf32>, vector<256x3xf32> -> vector<256x3xf32>
    %sub3A_687 = arith.subf %get3A_1, %dot_general3A_686 : vector<256x3xf32>
    %mul3A_688 = arith.mulf %sub3A_687, %sub3A_687 : vector<256x3xf32>
    %reduce_sum3A_689 = arith.constant dense<0.000000e+00> : vector<256xf32>
    %reduce_sum3A_690 = vector.multi_reduction <add>, %mul3A_688, %reduce_sum3A_689 [1] : vector<256x3xf32> to vector<256xf32>
    %broadcast_in_dim3A_691 = vector.shape_cast %reduce_sum3A_690 : vector<256xf32> to vector<256x1xf32>
    %add3A_692 = arith.constant 9.99999996E-13 : f32
    %add3A_693 = vector.broadcast %add3A_692 : f32 to vector<256x1xf32>
    %add3A_694 = arith.addf %broadcast_in_dim3A_691, %add3A_693 : vector<256x1xf32>
    %sqrt3A_695 = math.sqrt %add3A_694 : vector<256x1xf32>
    %dot_general3A_696 = arith.constant dense<0.000000e+00> : vector<256x128xf32>
    %dot_general3A_697 = tpu.matmul %dot_general3A_686, %get3A_39, %dot_general3A_696 {dimension_numbers = #tpu.dot_dimension_numbers<[1], [0], [0], [1], [0, 0, 1, 1], [], []>, transpose_lhs_hint = false} : vector<256x3xf32>, vector<3x128xf32>, vector<256x128xf32> -> vector<256x128xf32>
    %add3A_698 = arith.addf %add3A_36, %dot_general3A_697 : vector<256x128xf32>
    %mul3A_699 = vector.broadcast %sqrt3A_695 : vector<256x1xf32> to vector<256x128xf32>
    %mul3A_700 = vector.broadcast %get3A_42 : vector<1x128xf32> to vector<256x128xf32>
    %mul3A_701 = arith.mulf %mul3A_699, %mul3A_700 : vector<256x128xf32>
    %add3A_702 = arith.addf %add3A_698, %mul3A_701 : vector<256x128xf32>
    %max3A_703 = arith.constant 0.000000e+00 : f32
    %max3A_704 = vector.broadcast %max3A_703 : f32 to vector<256x128xf32>
    %max3A_705 = arith.maximumf %add3A_702, %max3A_704 : vector<256x128xf32>
    %swap3A_706 = arith.constant 0 : index
    %swap3A_707 = arith.constant 14 : index
    %swap3A_708 = arith.constant 0 : index
    %swap3A_709 = vector.load %arg12[%swap3A_706, %swap3A_707, %swap3A_708] : memref<256x16x128xf32, #tpu.memory_space<vmem>>, vector<256x1x128xf32>
    %swap3A_710 = vector.shape_cast %swap3A_709 : vector<256x1x128xf32> to vector<256x128xf32>
    %swap3A_711 = vector.shape_cast %max3A_705 : vector<256x128xf32> to vector<256x1x128xf32>
    tpu.vector_store %arg12[%swap3A_706, %swap3A_707, %swap3A_708], %swap3A_711 {strides = array<i32>} : memref<256x16x128xf32, #tpu.memory_space<vmem>>, vector<256x1x128xf32>,
    %reduce_min3A_712 = arith.constant dense<0x7F800000> : vector<256xf32>
    %reduce_min3A_713 = vector.multi_reduction <minimumf>, %select_n3A_684, %reduce_min3A_712 [1] : vector<256x4096xf32> to vector<256xf32>
    %broadcast_in_dim3A_714 = vector.shape_cast %reduce_min3A_713 : vector<256xf32> to vector<256x1xf32>
    %eq3A_715 = vector.broadcast %broadcast_in_dim3A_714 : vector<256x1xf32> to vector<256x4096xf32>
    %eq3A_716 = arith.cmpf oeq, %select_n3A_684, %eq3A_715 : vector<256x4096xf32>
    %jit3A_717 = arith.constant 4.096000e+03 : f32
    %broadcast_in_dim3A_718 = vector.broadcast %jit3A_717 : f32 to vector<256x4096xf32>
    %select_n3A_719 = arith.select %eq3A_716, %convert_element_type3A, %broadcast_in_dim3A_718 : vector<256x4096xi1>, vector<256x4096xf32>
    %reduce_min3A_720 = arith.constant dense<0x7F800000> : vector<256xf32>
    %reduce_min3A_721 = vector.multi_reduction <minimumf>, %select_n3A_719, %reduce_min3A_720 [1] : vector<256x4096xf32> to vector<256xf32>
    %broadcast_in_dim3A_722 = vector.shape_cast %reduce_min3A_721 : vector<256xf32> to vector<256x1xf32>
    %eq3A_723 = vector.broadcast %broadcast_in_dim3A_722 : vector<256x1xf32> to vector<256x4096xf32>
    %eq3A_724 = arith.cmpf oeq, %convert_element_type3A, %eq3A_723 : vector<256x4096xf32>
    %convert_element_type3A_725 = arith.extui %eq3A_724 : vector<256x4096xi1> to vector<256x4096xi32>
    %convert_element_type3A_726 = arith.sitofp %convert_element_type3A_725 : vector<256x4096xi32> to vector<256x4096xf32>
    %dot_general3A_727 = arith.constant dense<0.000000e+00> : vector<256x3xf32>
    %dot_general3A_728 = tpu.matmul %convert_element_type3A_726, %get3A_26, %dot_general3A_727 {dimension_numbers = #tpu.dot_dimension_numbers<[1], [0], [0], [1], [0, 0, 1, 1], [], []>, transpose_lhs_hint = false} : vector<256x4096xf32>, vector<4096x3xf32>, vector<256x3xf32> -> vector<256x3xf32>
    %sub3A_729 = arith.subf %get3A_1, %dot_general3A_728 : vector<256x3xf32>
    %mul3A_730 = arith.mulf %sub3A_729, %sub3A_729 : vector<256x3xf32>
    %reduce_sum3A_731 = arith.constant dense<0.000000e+00> : vector<256xf32>
    %reduce_sum3A_732 = vector.multi_reduction <add>, %mul3A_730, %reduce_sum3A_731 [1] : vector<256x3xf32> to vector<256xf32>
    %broadcast_in_dim3A_733 = vector.shape_cast %reduce_sum3A_732 : vector<256xf32> to vector<256x1xf32>
    %add3A_734 = arith.constant 9.99999996E-13 : f32
    %add3A_735 = vector.broadcast %add3A_734 : f32 to vector<256x1xf32>
    %add3A_736 = arith.addf %broadcast_in_dim3A_733, %add3A_735 : vector<256x1xf32>
    %sqrt3A_737 = math.sqrt %add3A_736 : vector<256x1xf32>
    %dot_general3A_738 = arith.constant dense<0.000000e+00> : vector<256x128xf32>
    %dot_general3A_739 = tpu.matmul %dot_general3A_728, %get3A_39, %dot_general3A_738 {dimension_numbers = #tpu.dot_dimension_numbers<[1], [0], [0], [1], [0, 0, 1, 1], [], []>, transpose_lhs_hint = false} : vector<256x3xf32>, vector<3x128xf32>, vector<256x128xf32> -> vector<256x128xf32>
    %add3A_740 = arith.addf %add3A_36, %dot_general3A_739 : vector<256x128xf32>
    %mul3A_741 = vector.broadcast %sqrt3A_737 : vector<256x1xf32> to vector<256x128xf32>
    %mul3A_742 = vector.broadcast %get3A_42 : vector<1x128xf32> to vector<256x128xf32>
    %mul3A_743 = arith.mulf %mul3A_741, %mul3A_742 : vector<256x128xf32>
    %add3A_744 = arith.addf %add3A_740, %mul3A_743 : vector<256x128xf32>
    %max3A_745 = arith.constant 0.000000e+00 : f32
    %max3A_746 = vector.broadcast %max3A_745 : f32 to vector<256x128xf32>
    %max3A_747 = arith.maximumf %add3A_744, %max3A_746 : vector<256x128xf32>
    %swap3A_748 = arith.constant 0 : index
    %swap3A_749 = arith.constant 15 : index
    %swap3A_750 = arith.constant 0 : index
    %swap3A_751 = vector.load %arg12[%swap3A_748, %swap3A_749, %swap3A_750] : memref<256x16x128xf32, #tpu.memory_space<vmem>>, vector<256x1x128xf32>
    %swap3A_752 = vector.shape_cast %swap3A_751 : vector<256x1x128xf32> to vector<256x128xf32>
    %swap3A_753 = vector.shape_cast %max3A_747 : vector<256x128xf32> to vector<256x1x128xf32>
    tpu.vector_store %arg12[%swap3A_748, %swap3A_749, %swap3A_750], %swap3A_753 {strides = array<i32>} : memref<256x16x128xf32, #tpu.memory_space<vmem>>, vector<256x1x128xf32>,
    %concatenate3A = tpu.concatenate %broadcast_in_dim3A_51, %broadcast_in_dim3A_92, %broadcast_in_dim3A_137, %broadcast_in_dim3A_182, %broadcast_in_dim3A_227, %broadcast_in_dim3A_272, %broadcast_in_dim3A_317, %broadcast_in_dim3A_362, %broadcast_in_dim3A_407, %broadcast_in_dim3A_452, %broadcast_in_dim3A_497, %broadcast_in_dim3A_542, %broadcast_in_dim3A_587, %broadcast_in_dim3A_632, %broadcast_in_dim3A_677, %broadcast_in_dim3A_722 in 1 : vector<256x1xf32>, vector<256x1xf32>, vector<256x1xf32>, vector<256x1xf32>, vector<256x1xf32>, vector<256x1xf32>, vector<256x1xf32>, vector<256x1xf32>, vector<256x1xf32>, vector<256x1xf32>, vector<256x1xf32>, vector<256x1xf32>, vector<256x1xf32>, vector<256x1xf32>, vector<256x1xf32>, vector<256x1xf32> -> vector<256x16xf32>
    %convert_element_type3A_754 = arith.fptosi %concatenate3A : vector<256x16xf32> to vector<256x16xi32>
    %swap3A_755 = arith.constant 0 : index
    %swap3A_756 = arith.constant 0 : index
    %swap3A_757 = vector.load %arg13[%swap3A_755, %swap3A_756] : memref<256x16xi32, #tpu.memory_space<vmem>>, vector<256x16xi32>
    tpu.vector_store %arg13[%swap3A_755, %swap3A_756], %convert_element_type3A_754 {strides = array<i32>} : memref<256x16xi32, #tpu.memory_space<vmem>>, vector<256x16xi32>,
    return
  }
  func.func @transform_0(%arg0: i32) -> (i32, i32) {
    %c0_i32 = arith.constant 0 : i32
    %c0_i32_0 = arith.constant 0 : i32
    return %arg0, %c0_i32 : i32, i32
  }
  func.func @transform_1(%arg0: i32) -> (i32, i32) {
    %c0_i32 = arith.constant 0 : i32
    %c0_i32_0 = arith.constant 0 : i32
    %c0_i32_1 = arith.constant 0 : i32
    return %c0_i32, %c0_i32_0 : i32, i32
  }
  func.func @transform_2(%arg0: i32) -> (i32, i32) {
    %c0_i32 = arith.constant 0 : i32
    %c0_i32_0 = arith.constant 0 : i32
    %c0_i32_1 = arith.constant 0 : i32
    return %c0_i32, %c0_i32_0 : i32, i32
  }
  func.func @transform_3(%arg0: i32) -> (i32, i32) {
    %c0_i32 = arith.constant 0 : i32
    %c0_i32_0 = arith.constant 0 : i32
    return %arg0, %c0_i32 : i32, i32
  }
  func.func @transform_4(%arg0: i32) -> (i32, i32) {
    %c0_i32 = arith.constant 0 : i32
    %c0_i32_0 = arith.constant 0 : i32
    %c0_i32_1 = arith.constant 0 : i32
    return %c0_i32, %c0_i32_0 : i32, i32
  }
  func.func @transform_5(%arg0: i32) -> (i32, i32) {
    %c0_i32 = arith.constant 0 : i32
    %c0_i32_0 = arith.constant 0 : i32
    return %arg0, %c0_i32 : i32, i32
  }
  func.func @transform_6(%arg0: i32) -> (i32, i32) {
    %c0_i32 = arith.constant 0 : i32
    %c0_i32_0 = arith.constant 0 : i32
    %c0_i32_1 = arith.constant 0 : i32
    return %c0_i32, %c0_i32_0 : i32, i32
  }
  func.func @transform_7(%arg0: i32) -> (i32, i32) {
    %c0_i32 = arith.constant 0 : i32
    %c0_i32_0 = arith.constant 0 : i32
    %c0_i32_1 = arith.constant 0 : i32
    return %c0_i32, %c0_i32_0 : i32, i32
  }
  func.func @transform_8(%arg0: i32) -> (i32, i32) {
    %c0_i32 = arith.constant 0 : i32
    %c0_i32_0 = arith.constant 0 : i32
    %c0_i32_1 = arith.constant 0 : i32
    return %c0_i32, %c0_i32_0 : i32, i32
  }
  func.func @transform_9(%arg0: i32) -> (i32, i32) {
    %c0_i32 = arith.constant 0 : i32
    %c0_i32_0 = arith.constant 0 : i32
    %c0_i32_1 = arith.constant 0 : i32
    return %c0_i32, %c0_i32_0 : i32, i32
  }
  func.func @transform_10(%arg0: i32) -> (i32, i32) {
    %c0_i32 = arith.constant 0 : i32
    %c0_i32_0 = arith.constant 0 : i32
    %c0_i32_1 = arith.constant 0 : i32
    return %c0_i32, %c0_i32_0 : i32, i32
  }
  func.func @transform_11(%arg0: i32) -> (i32, i32, i32) {
    %c0_i32 = arith.constant 0 : i32
    %c0_i32_0 = arith.constant 0 : i32
    %c0_i32_1 = arith.constant 0 : i32
    return %arg0, %c0_i32, %c0_i32_0 : i32, i32, i32
  }
  func.func @transform_12(%arg0: i32) -> (i32, i32) {
    %c0_i32 = arith.constant 0 : i32
    %c0_i32_0 = arith.constant 0 : i32
    return %arg0, %c0_i32 : i32, i32
  }
}

</mosaic_0001>

<sc_bundles>
// kernel: kernel.4.cloned.1.call-start
scs
__scs_entry_jumppad:
0x0: {  	(pc) =	sbr.rel $0x88, $3  }
0x1: {  	(tag) =	ssettag $0x0;
	lr =	simm.s32 $0x1  }
0x2: {  	[smem:$0x3F9C] =	sst lr;
	_ =	strace $0xD0000000  }
0x3: {  	_ = 	snop  }
0x4: {  	_ = 	snop  }
0x5: {  	_ = 	snop  }
0x6: {  	_ = 	snop  }
0x7: {  	_ = 	snop  }
__scs_overlays_trampoline_lowered:
0x8: {  	[smem:$0x3FAB] =	sst s0  }
0x9: {  	[smem:$0x3FAC] =	sst s1  }
0xa: {  	[smem:$0x3FAD] =	sst s2  }
0xb: {  	[smem:$0x3FAE] =	sst s3  }
0xc: {  	[smem:$0x3FAF] =	sst s4  }
0xd: {  	[smem:$0x3FB0] =	sst s5  }
0xe: {  	[smem:$0x3FB1] =	sst s6  }
0xf: {  	[smem:$0x3FB2] =	sst s7  }
0x10: {  	[smem:$0x3FB3] =	sst s8  }
0x11: {  	[smem:$0x3FB4] =	sst s9;
	s0 =	simm.s32 @!p0 $0x0  }
0x12: {  	s1 =	sld [smem:$0x3F9A];
	s0 =	simm.s32 @p0 $0x1  }
0x13: {  	[smem:$0x3FB5] =	sst s0;
	s0 =	simm.s32 @!p1 $0x0  }
0x14: {  	s2 =	sld [smem:$0x3F99];
	s0 =	simm.s32 @p1 $0x1  }
0x15: {  	[smem:$0x3FB6] =	sst s0;
	s0 =	simm.s32 @!p2 $0x0  }
0x16: {  	s3 =	sld [smem:$0x3FDB];
	s0 =	simm.s32 @p2 $0x1  }
0x17: {  	s4 =	simm.s32 $0x1BF5;
	[smem:$0x3FB8] =	sst s0  }
0x18: {  	s0 =	sld [smem:$0x3F9B];
	_ =	swait.ge [sflag:s4], $0x0  }
0x19: {  	s7 =	sld [smem:$0x3F9C]  }
0x1a: {  	s8 =	sadd.s32 $0xFFFFE003, lr  }
0x1b: {  	s9 =	sadd.s32 $0xFFFFFEF7, lr;
	s5 =	simm.s32 $0xFFFFFFFF;
	p2 =	slt.u32 s8, $0xFFFFF086  }
0x1c: {  	p1 =	slt.u32 s9, $0xF7A;
	s5 =	simm.s32 @!p2 $0x0  }
0x1d: {  	s5 =	simm.s32 @p1 $0x1;
	p0 =	seq.s32 s7, s2  }
0x1e: {  	s7 =	smul.u32 @!p0 $0xF7A, s2;
	p2 =	seq.s32 @!p0 s5, $0x0  }
0x1f: {  	s9 =	smul.u32 $0xF7A, s1;
	s8 =	simm.s32 @!p0 $0x1BF5;
	p2 =	por !p2, p0  }
0x20: {  	[sflag:s8] =	ssyncset.s32 @!p0 $0xFFFFF086;
	s6 =	sadd.s32 @!p0 s3, s7;
	s7 =	simm.s32 @!p0 $0x108  }
0x21: {  	s3 =	sadd.s32 s3, s9;
	s6 =	sadd.s32 @!p0 $0x88, s6;
	s7 =	simm.s32 @p2 $0x1082  }
0x22: {  	[simem:s7], [sflag:s8] =	dma.local @!p0 [hbm:s6], $0xF7A  }
0x23: {  	s9 =	sor.u32 $0xD0000000, s2;
	s6 =	simm.s32 $0x108;
	_ =	swait.ge @!p0 [sflag:s8], $0x0  }
0x24: {  	s3 =	sadd.s32 $0x88, s3;
	s6 =	simm.s32 @!p1 $0x1082;
	[sflag:s4] =	ssyncset.s32 $0xFFFFF086  }
0x25: {  	[simem:s6], [sflag:s4] =	dma.local [hbm:s3], $0xF7A  }
0x26: {  	[smem:$0x3F9C] =	sst s1;
	(tag) =	ssettag s2;
	_ =	strace s9  }
0x27: {  	s1 =	sld [smem:$0x3FAC]  }
0x28: {  	s2 =	sld [smem:$0x3FAD]  }
0x29: {  	s4 =	sld [smem:$0x3FAF]  }
0x2a: {  	p0 =	seq.s32 s5, $0x0;
	s5 =	sld [smem:$0x3FB0]  }
0x2b: {  	s6 =	sld [smem:$0x3FB1]  }
0x2c: {  	s7 =	sld [smem:$0x3FB2]  }
0x2d: {  	s3 =	simm.s32 $0x108;
	s8 =	sld [smem:$0x3FB3]  }
0x2e: {  	s3 =	simm.s32 @!p0 $0x1082;
	s9 =	sld [smem:$0x3FB4]  }
0x2f: {  	lr =	sadd.s32 s0, s3;
	s0 =	sld [smem:$0x3FAB]  }
0x30: {  	s3 =	sld [smem:$0x3FAE]  }
0x31: {  	[smem:$0x3FB7] =	sst s10  }
0x32: {  	s10 =	sld [smem:$0x3FB5];
	_ =	sdelay $0x3  }
0x33: {  	p0 =	seq.s32 s10, $0x1;
	s10 =	sld [smem:$0x3FB7];
	_ =	sdelay $0x3  }
0x34: {  	[smem:$0x3FB7] =	sst s10  }
0x35: {  	s10 =	sld [smem:$0x3FB6];
	_ =	sdelay $0x3  }
0x36: {  	p1 =	seq.s32 s10, $0x1;
	s10 =	sld [smem:$0x3FB7];
	_ =	sdelay $0x3  }
0x37: {  	[smem:$0x3FB7] =	sst s10  }
0x38: {  	s10 =	sld [smem:$0x3FB8]  }
0x39: {  	_ = 	snop;
	(pc) =	sbr.ind lr, $3  }
0x3a: {  	_ = 	snop  }
0x3b: {  	_ = 	snop  }
0x3c: {  	p2 =	seq.s32 s10, $0x1;
	s10 =	sld [smem:$0x3FB7]  }
0x3d: {  	_ =	shalt  }
0x3e: {  	_ =	shalt  }
0x3f: {  	_ =	shalt  }
0x40: {  	_ =	shalt  }
0x41: {  	_ =	shalt  }
0x42: {  	_ =	shalt  }
0x43: {  	_ =	shalt  }
0x44: {  	_ =	shalt  }
0x45: {  	_ =	shalt  }
0x46: {  	_ =	shalt  }
0x47: {  	_ =	shalt  }
0x48: {  	_ =	shalt  }
0x49: {  	_ =	shalt  }
0x4a: {  	_ =	shalt  }
0x4b: {  	_ =	shalt  }
0x4c: {  	_ =	shalt  }
0x4d: {  	_ =	shalt  }
0x4e: {  	_ =	shalt  }
0x4f: {  	_ =	shalt  }
0x50: {  	_ =	shalt  }
0x51: {  	_ =	shalt  }
0x52: {  	_ =	shalt  }
0x53: {  	_ =	shalt  }
0x54: {  	_ =	shalt  }
0x55: {  	_ =	shalt  }
0x56: {  	_ =	shalt  }
0x57: {  	_ =	shalt  }
0x58: {  	_ =	shalt  }
0x59: {  	_ =	shalt  }
0x5a: {  	_ =	shalt  }
0x5b: {  	_ =	shalt  }
0x5c: {  	_ =	shalt  }
0x5d: {  	_ =	shalt  }
0x5e: {  	_ =	shalt  }
0x5f: {  	_ =	shalt  }
0x60: {  	_ =	shalt  }
0x61: {  	_ =	shalt  }
0x62: {  	_ =	shalt  }
0x63: {  	_ =	shalt  }
0x64: {  	_ =	shalt  }
0x65: {  	_ =	shalt  }
0x66: {  	_ =	shalt  }
0x67: {  	_ =	shalt  }
0x68: {  	_ =	shalt  }
0x69: {  	_ =	shalt  }
0x6a: {  	_ =	shalt  }
0x6b: {  	_ =	shalt  }
0x6c: {  	_ =	shalt  }
0x6d: {  	_ =	shalt  }
0x6e: {  	_ =	shalt  }
0x6f: {  	_ =	shalt  }
0x70: {  	_ =	shalt  }
0x71: {  	_ =	shalt  }
0x72: {  	_ =	shalt  }
0x73: {  	_ =	shalt  }
0x74: {  	_ =	shalt  }
0x75: {  	_ =	shalt  }
0x76: {  	_ =	shalt  }
0x77: {  	_ =	shalt  }
0x78: {  	_ =	shalt  }
0x79: {  	_ =	shalt  }
0x7a: {  	_ =	shalt  }
0x7b: {  	_ =	shalt  }
0x7c: {  	_ =	shalt  }
0x7d: {  	_ =	shalt  }
0x7e: {  	_ =	shalt  }
0x7f: {  	_ =	shalt  }
0x80: {  	_ =	shalt  }
0x81: {  	_ =	shalt  }
0x82: {  	_ =	shalt  }
0x83: {  	_ =	shalt  }
0x84: {  	_ =	shalt  }
0x85: {  	_ =	shalt  }
0x86: {  	_ =	shalt  }
0x87: {  	_ =	shalt  }
.Lfunc_end0:
.L_simem_size_0:
called_computation_lowered:
.L_overlay_start_0:
0x88: {  	s2 =	sld [smem:$0x3FD9]  }
0x89: {  	s3 =	sld [smem:$0x3FFE];
	_ =	sdelay $0x1  }
0x8a: {  	s1 =	srdreg.scid  }
0x8b: {  	s0 =	sand.u32 $0x1, s1  }
0x8c: {  	s17 =	sshll.u32 s0, $0xA;
	s2 =	sadd.s32 s3, s2  }
0x8d: {  	s2 =	sadd.s32 s2, s17  }
0x8e: {  	[smem:$0x3FC3] =	sst s2  }
0x8f: {  	_ = 	snop  }
0x90: {  	s2 =	sld [smem:$0x3FC9]  }
0x91: {  	s18 =	sld [smem:$0x3FD0];
	(tm) =	ssettm $0x1  }
0x92: {  	s4 =	sld [smem:$0x3FFB];
	_ =	sdelay $0x3  }
0x93: {  	_ =	strace s4  }
0x94: {  	s4 =	sld [smem:$0x3FFC];
	_ =	sdelay $0x3  }
0x95: {  	_ =	strace s4  }
0x96: {  	s4 =	sld [smem:$0x3FFD];
	_ =	sdelay $0x3  }
0x97: {  	_ =	strace s4  }
0x98: {  	_ =	strace $0x8FFFFFFF  }
0x99: {  	s19 =	sld [smem:$0x3FDB];
	_ =	sdelay $0x1  }
0x9a: {  	s5 =	simm.s32 $_scs_section_size  }
0x9b: {  	s6 =	simm.s32 $_size__tile_overlayer_lowered;
	s7 =	simm.s32 $_tile_overlayer_lowered  }
0x9c: {  	s22 =	simm.s32 $0x1BFF;
	s21 =	sshll.u32 s7, $0x1;
	s4 =	sadd.s32 s5, s19  }
0x9d: {  	s8 =	simm.s32 $0x0;
	s20 =	sshll.u32 s6, $0x1;
	s6 =	sadd.s32 s21, s4  }
0x9e: {  	[timem:s8], [sflag:s22] =	dma.local [hbm:s6], s20  }
0x9f: {  	_ =	swait.ge [sflag:s22], s20  }
0xa0: {  	s5 =	ssub.s32 $0x0, s20;
	[sflag:s22] =	ssyncset.done $0x0  }
0xa1: {  	[sflag:s22] =	ssyncadd.s32 s5;
	_ =	sdelay $0x1  }
0xa2: {  	s23 =	simm.s32 $0x1B8B  }
0xa3: {  	_ =	swait.ge [sflag:s23], $0x1  }
0xa4: {  	[sflag:s23] =	ssyncset.done $0x0  }
0xa5: {  	s25 =	simm.s32 $0x1B8E;
	s24 =	sld [smem:$0x3FFE];
	[sflag:s23] =	ssyncadd.s32 $0xFFFFFFFF  }
0xa6: {  	s26 =	simm.s32 $execute0_lowered;
	[smem:$0x3FD2] =	sst s25  }
0xa7: {  	s6 =	sshll.u32 s26, $0x1;
	_ =	strace $0x80000046;
	[dreg:$0x1] =	wrdreg $0xFFFFFFFF  }
0xa8: {  	s28 =	simm.s32 $_size_execute0_lowered;
	s4 =	sadd.s32 s4, s6;
	[dreg:$0x0] =	wrdreg $0x0  }
0xa9: {  	s6 =	sshll.u32 s28, $0x1;
	[dreg:$0x2] =	wrdreg s4  }
0xaa: {  	[dreg:$0x3] =	wrdreg s6  }
0xab: {  	[dreg:$0x4] =	wrdreg $0xC0  }
0xac: {  	_ =	task [dreg:s8], $0x5FFFF  }
0xad: {  	[dreg:$0x1] =	wrdreg $0xFFFFFFFF  }
0xae: {  	[dreg:$0x0] =	wrdreg $0x60  }
0xaf: {  	[dreg:$0x2] =	wrdreg s2  }
0xb0: {  	[dreg:$0x3] =	wrdreg s24  }
0xb1: {  	[dreg:$0x4] =	wrdreg s18  }
0xb2: {  	[dreg:$0x5] =	wrdreg $0x9  }
0xb3: {  	_ =	task.clear_ibuf [dreg:s8], $0x6FFFF;
	_ =	strace $0x90000046  }
0xb4: {  	s29 =	simm.s32 $0x9;
	_ =	strace $0x80000048  }
0xb5: {  	_ =	swait.ge [sflag:s29], $0x1  }
0xb6: {  	[sflag:s29] =	ssyncadd.s32 $0xFFFFFFFF  }
0xb7: {  	_ =	strace $0x90000048  }
0xb8: {  	_ =	sfence  }
0xb9: {  	s30 =	sld [smem:$0x0];
	_ =	sdelay $0x2  }
0xba: {  	s31 =	sshll.u32 s1, $0xD;
	s1 =	sshrl.u32 s1, $0x2  }
0xbb: {  	s3 =	sand.u32 $0x4000, s31;
	s1 =	sadd.s32 s1, s30  }
0xbc: {  	s0 =	sor.u32 s3, s0;
	s1 =	sshll.u32 s1, $0x11  }
0xbd: {  	s0 =	sor.u32 s1, s0  }
0xbe: {  	s0 =	sadd.s32 $0x8F2B, s0  }
0xbf: {  	[sflag:s0] =	ssyncadd.remote.s32 $0x1  }
0xc0: {  	_ =	sfence.sel $0xFFFF  }
0xc1: {  	[dreg:$0x0] =	wrdreg $0xFFFFFFFF;
	(pc) =	sbr.abs _section_cstart, $3  }
0xc2: {  	[dreg:$0x1] =	wrdreg $0xFFFFFFFF  }
0xc3: {  	_ =	task.clear_ibuf [dreg:s8], $0x2FFFF;
	_ =	strace $0x9FFFFFFF  }
0xc4: {  	(tm) =	ssettm $0x7FFFFFFF  }
0xc5: {  	_ =	shalt  }
tec
execute0_lowered:
.L_overlay_start_1:
0x0: {  	(tag) =	ssettag $0x1  }
0x1: {  	s3 =	rddreg [dreg:$0x0];
	s0 =	srdreg.scid  }
0x2: {  	s4 =	rddreg [dreg:$0x1];
	s2 =	stileid.u32  }
0x3: {  	s1 =	rddreg [dreg:$0x2];
	p0 =	por $0x0, $0x0;
	s31 =	simm.s32 $0x200  }
0x4: {  	s30 =	simm.s32 $0x300;
	s29 =	simm.s32 $0x500;
	s28 =	simm.s32 $0x600  }
0x5: {  	s0 =	sand.u32 $0x1, s0;
	s5 =	sshll.u32 s2, $0xC;
	s2 =	simm.s32 $0x0  }
0x6: {  	s6 =	sshll.u32 s0, $0xB;
	[smem:$0x7FF] =	sst s2;
	s0 =	ssub.s32 $0x2, s0  }
0x7: {  	s5 =	sor.u32 s6, s5;
	_ =	strace $0x80000047;
	s9 =	sshrl.u32 s0, $0x1  }
0x8: {  	s6 =	sshrl.u32 s5, $0x3;
	s8 =	sshll.u32 s5, $0x4;
	s0 =	ssub.s32 s0, s9  }
0x9: {  	s5 =	sshll.u32 s5, $0x5;
	s9 =	sadd.s32 $0x80, s1;
	s7 =	sadd.s32 s6, s4  }
0xa: {  	s4 =	sadd.s32 $0xA00, s4;
	s14 =	sadd.s32 s1, s5;
	s15 =	sor.u32 $0x20, s6  }
0xb: {  	s5 =	sadd.s32 s5, s9;
	s20 =	sor.u32 $0x40, s6;
	s26 =	sor.u32 $0x60, s6  }
0xc: {  	s0 =	smax.u32 s0, $0x1;
	s7 =	sadd.s32 $0x100A00, s7;
	[dreg:$0x6] =	wrdreg s14  }
0xd: {  	s13 =	sadd.s32 s4, s8;
	s16 =	sshll.u32 s15, $0x7;
	[dreg:$0x7] =	wrdreg s5  }
0xe: {  	s18 =	sshll.u32 s15, $0x8;
	s22 =	sshll.u32 s20, $0x7;
	s24 =	sshll.u32 s20, $0x8  }
0xf: {  	s10 =	sshll.u32 s26, $0x7;
	s12 =	sshll.u32 s26, $0x8;
	[dreg:$0x4] =	wrdreg s7  }
0x10: {  	s15 =	sor.u32 $0xA0, s6;
	[dreg:$0x5] =	wrdreg s13;
	s17 =	sadd.s32 s4, s16  }
0x11: {  	p1 =	sne.s32 s0, $0x1;
	s19 =	sadd.s32 s1, s18;
	[dreg:$0x8] =	wrdreg s17  }
0x12: {  	s21 =	sadd.s32 s18, s9;
	s23 =	sadd.s32 s4, s22;
	[dreg:$0x9] =	wrdreg s19  }
0x13: {  	s25 =	sadd.s32 s1, s24;
	s7 =	sadd.s32 s24, s9;
	[dreg:$0xa] =	wrdreg s21  }
0x14: {  	s11 =	sadd.s32 s4, s10;
	s26 =	sadd.s32 s1, s12;
	[dreg:$0xb] =	wrdreg s23  }
0x15: {  	s13 =	sor.u32 $0x80, s6;
	s24 =	sadd.s32 s12, s9;
	[dreg:$0xc] =	wrdreg s25  }
0x16: {  	s16 =	sshll.u32 s15, $0x7;
	s12 =	simm.s32 $0x10800;
	[dreg:$0xd] =	wrdreg s7  }
0x17: {  	[dreg:$0xe] =	wrdreg s11;
	s14 =	sshll.u32 s13, $0x7;
	s5 =	sshll.u32 s13, $0x8  }
0x18: {  	s7 =	sshll.u32 s15, $0x8;
	s19 =	sadd.s32 s4, s16;
	s17 =	sor.u32 $0xC0, s6  }
0x19: {  	s6 =	sor.u32 $0xE0, s6;
	s13 =	simm.s32 $0x2;
	s23 =	sadd.s32 s4, s14  }
0x1a: {  	s22 =	sadd.s32 s1, s5;
	s20 =	sadd.s32 s5, s9;
	s18 =	sadd.s32 s1, s7  }
0x1b: {  	s16 =	sadd.s32 s7, s9;
	s21 =	sshll.u32 s17, $0x7;
	s5 =	sshll.u32 s17, $0x8  }
0x1c: {  	s25 =	sshll.u32 s6, $0x7;
	s6 =	sshll.u32 s6, $0x8;
	s7 =	simm.s32 $0x8800  }
.Ltmp0:
0x1d: {  	s17 =	simm.s32 $0x1;
	s15 =	sadd.s32 s4, s21;
	(pc) =	sbr.rel @!p1 .LBB2_3-.Ltmp0, $4  }
0x1e: {  	s14 =	sadd.s32 s1, s5;
	s11 =	sadd.s32 s5, s9;
	s10 =	sadd.s32 s4, s25  }
0x1f: {  	s8 =	sadd.s32 s1, s6;
	s5 =	sadd.s32 s6, s9;
	s4 =	simm.s32 $0x3  }
0x20: {  	s21 =	simm.s32 $0x100;
	s6 =	simm.s32 $0x800;
	s9 =	simm.s32 $0x400  }
0x21: {  	s1 =	sadd.s32 $0xFFFFFFFF, s0;
	s25 =	simm.s32 $0x700;
	s0 =	rddreg [dreg:$0x4]  }
0x22: {  	[tilespmem:s2], [sflag:$0x3] =	stream.linear.gather [hbm4b:s0+s2], $0x800, $0x38;
	[tilespmem:$0x18800] =	vst v63  }
0x23: {  	_ =	swait.ge [sflag:s4], $0x800  }
0x24: {  	[sflag:s4] =	ssyncset.done $0x0  }
0x25: {  	[sflag:s4] =	ssyncadd.s32 $0xFFFFF800  }
0x26: {  	[tilespmem:s6], [sflag:$0x1] =	stream.indirect.gather [hbm4b:s3+s21], $0x80, s2, s21, $0xb8;
	[tilespmem:$0x18800] =	vst v63  }
0x27: {  	_ = 	snop  }
0x28: {  	[tilespmem:s7], [sflag:$0x2] =	stream.indirect.gather [hbm4b:s3+s21], $0x80, s21, s21, $0xb8;
	[tilespmem:$0x18800] =	vst v63  }
0x29: {  	s0 =	rddreg [dreg:$0x5]  }
0x2a: {  	[tilespmem:s12], [sflag:$0x3] =	stream.linear.gather [hbm4b:s0+s2], $0x8000, $0x38;
	[tilespmem:$0x18800] =	vst v63  }
0x2b: {  	_ =	swait.ge [sflag:s4], $0x8000  }
0x2c: {  	[sflag:s4] =	ssyncset.done $0x0  }
0x2d: {  	s0 =	rddreg [dreg:$0x6];
	[sflag:s4] =	ssyncadd.s32 $0xFFFF8000  }
0x2e: {  	[hbm4b:s0+s9] =	stream.strided.scatter [tilespmem:s12], [sflag:$0x3], $0x8000, s6, s9, $0x38;
	[tilespmem:$0x18800] =	vst v63  }
0x2f: {  	_ =	swait.ge [sflag:s4], $0x8000  }
0x30: {  	[sflag:s4] =	ssyncset.done $0x0  }
0x31: {  	[sflag:s4] =	ssyncadd.s32 $0xFFFF8000  }
0x32: {  	_ =	swait.ge [sflag:s17], $0x8000  }
0x33: {  	[sflag:s17] =	ssyncset.done $0x0  }
0x34: {  	s0 =	rddreg [dreg:$0x7];
	[sflag:s17] =	ssyncadd.s32 $0xFFFF8000  }
0x35: {  	[hbm4b:s0+s9] =	stream.strided.scatter [tilespmem:s6], [sflag:$0x3], $0x8000, s6, s9, $0x38;
	[tilespmem:$0x18800] =	vst v63  }
0x36: {  	_ =	swait.ge [sflag:s4], $0x8000  }
0x37: {  	[sflag:s4] =	ssyncset.done $0x0  }
0x38: {  	[sflag:s4] =	ssyncadd.s32 $0xFFFF8000  }
0x39: {  	[tilespmem:s6], [sflag:$0x1] =	stream.indirect.gather [hbm4b:s3+s21], $0x80, s31, s21, $0xb8;
	[tilespmem:$0x18800] =	vst v63  }
0x3a: {  	s0 =	rddreg [dreg:$0x8]  }
0x3b: {  	[tilespmem:s12], [sflag:$0x3] =	stream.linear.gather [hbm4b:s0+s2], $0x8000, $0x38;
	[tilespmem:$0x18800] =	vst v63  }
0x3c: {  	_ =	swait.ge [sflag:s4], $0x8000  }
0x3d: {  	[sflag:s4] =	ssyncset.done $0x0  }
0x3e: {  	s0 =	rddreg [dreg:$0x9];
	[sflag:s4] =	ssyncadd.s32 $0xFFFF8000  }
0x3f: {  	[hbm4b:s0+s9] =	stream.strided.scatter [tilespmem:s12], [sflag:$0x3], $0x8000, s6, s9, $0x38;
	[tilespmem:$0x18800] =	vst v63  }
0x40: {  	_ =	swait.ge [sflag:s4], $0x8000  }
0x41: {  	[sflag:s4] =	ssyncset.done $0x0  }
0x42: {  	[sflag:s4] =	ssyncadd.s32 $0xFFFF8000  }
0x43: {  	_ =	swait.ge [sflag:s13], $0x8000  }
0x44: {  	[sflag:s13] =	ssyncset.done $0x0  }
0x45: {  	s0 =	rddreg [dreg:$0xa];
	[sflag:s13] =	ssyncadd.s32 $0xFFFF8000  }
0x46: {  	[hbm4b:s0+s9] =	stream.strided.scatter [tilespmem:s7], [sflag:$0x3], $0x8000, s6, s9, $0x38;
	[tilespmem:$0x18800] =	vst v63  }
0x47: {  	_ =	swait.ge [sflag:s4], $0x8000  }
0x48: {  	[sflag:s4] =	ssyncset.done $0x0  }
0x49: {  	[sflag:s4] =	ssyncadd.s32 $0xFFFF8000  }
0x4a: {  	[tilespmem:s7], [sflag:$0x2] =	stream.indirect.gather [hbm4b:s3+s21], $0x80, s30, s21, $0xb8;
	[tilespmem:$0x18800] =	vst v63  }
0x4b: {  	s0 =	rddreg [dreg:$0xb]  }
0x4c: {  	[tilespmem:s12], [sflag:$0x3] =	stream.linear.gather [hbm4b:s0+s2], $0x8000, $0x38;
	[tilespmem:$0x18800] =	vst v63  }
0x4d: {  	_ =	swait.ge [sflag:s4], $0x8000  }
0x4e: {  	[sflag:s4] =	ssyncset.done $0x0  }
0x4f: {  	s0 =	rddreg [dreg:$0xc];
	[sflag:s4] =	ssyncadd.s32 $0xFFFF8000  }
0x50: {  	[hbm4b:s0+s9] =	stream.strided.scatter [tilespmem:s12], [sflag:$0x3], $0x8000, s6, s9, $0x38;
	[tilespmem:$0x18800] =	vst v63  }
0x51: {  	_ =	swait.ge [sflag:s4], $0x8000  }
0x52: {  	[sflag:s4] =	ssyncset.done $0x0  }
0x53: {  	[sflag:s4] =	ssyncadd.s32 $0xFFFF8000  }
0x54: {  	_ =	swait.ge [sflag:s17], $0x8000  }
0x55: {  	[sflag:s17] =	ssyncset.done $0x0  }
0x56: {  	s0 =	rddreg [dreg:$0xd];
	[sflag:s17] =	ssyncadd.s32 $0xFFFF8000  }
0x57: {  	[hbm4b:s0+s9] =	stream.strided.scatter [tilespmem:s6], [sflag:$0x3], $0x8000, s6, s9, $0x38;
	[tilespmem:$0x18800] =	vst v63  }
0x58: {  	_ =	swait.ge [sflag:s4], $0x8000  }
0x59: {  	[sflag:s4] =	ssyncset.done $0x0  }
0x5a: {  	[sflag:s4] =	ssyncadd.s32 $0xFFFF8000  }
0x5b: {  	[tilespmem:s6], [sflag:$0x1] =	stream.indirect.gather [hbm4b:s3+s21], $0x80, s9, s21, $0xb8;
	[tilespmem:$0x18800] =	vst v63  }
0x5c: {  	s0 =	rddreg [dreg:$0xe]  }
0x5d: {  	[tilespmem:s12], [sflag:$0x3] =	stream.linear.gather [hbm4b:s0+s2], $0x8000, $0x38;
	[tilespmem:$0x18800] =	vst v63  }
0x5e: {  	_ =	swait.ge [sflag:s4], $0x8000  }
0x5f: {  	[sflag:s4] =	ssyncset.done $0x0  }
0x60: {  	[sflag:s4] =	ssyncadd.s32 $0xFFFF8000  }
0x61: {  	[hbm4b:s26+s9] =	stream.strided.scatter [tilespmem:s12], [sflag:$0x3], $0x8000, s6, s9, $0x38;
	[tilespmem:$0x18800] =	vst v63  }
0x62: {  	_ =	swait.ge [sflag:s4], $0x8000  }
0x63: {  	[sflag:s4] =	ssyncset.done $0x0  }
0x64: {  	[sflag:s4] =	ssyncadd.s32 $0xFFFF8000  }
0x65: {  	_ =	swait.ge [sflag:s13], $0x8000  }
0x66: {  	[sflag:s13] =	ssyncset.done $0x0  }
0x67: {  	[sflag:s13] =	ssyncadd.s32 $0xFFFF8000  }
0x68: {  	[hbm4b:s24+s9] =	stream.strided.scatter [tilespmem:s7], [sflag:$0x3], $0x8000, s6, s9, $0x38;
	[tilespmem:$0x18800] =	vst v63  }
0x69: {  	_ =	swait.ge [sflag:s4], $0x8000  }
0x6a: {  	[sflag:s4] =	ssyncset.done $0x0  }
0x6b: {  	[sflag:s4] =	ssyncadd.s32 $0xFFFF8000  }
0x6c: {  	[tilespmem:s7], [sflag:$0x2] =	stream.indirect.gather [hbm4b:s3+s21], $0x80, s29, s21, $0xb8;
	[tilespmem:$0x18800] =	vst v63  }
0x6d: {  	_ = 	snop  }
0x6e: {  	[tilespmem:s12], [sflag:$0x3] =	stream.linear.gather [hbm4b:s23+s2], $0x8000, $0x38;
	[tilespmem:$0x18800] =	vst v63  }
0x6f: {  	_ =	swait.ge [sflag:s4], $0x8000  }
0x70: {  	[sflag:s4] =	ssyncset.done $0x0  }
0x71: {  	[sflag:s4] =	ssyncadd.s32 $0xFFFF8000  }
0x72: {  	[hbm4b:s22+s9] =	stream.strided.scatter [tilespmem:s12], [sflag:$0x3], $0x8000, s6, s9, $0x38;
	[tilespmem:$0x18800] =	vst v63  }
0x73: {  	_ =	swait.ge [sflag:s4], $0x8000  }
0x74: {  	[sflag:s4] =	ssyncset.done $0x0  }
0x75: {  	[sflag:s4] =	ssyncadd.s32 $0xFFFF8000  }
0x76: {  	_ =	swait.ge [sflag:s17], $0x8000  }
0x77: {  	[sflag:s17] =	ssyncset.done $0x0  }
0x78: {  	[sflag:s17] =	ssyncadd.s32 $0xFFFF8000  }
0x79: {  	[hbm4b:s20+s9] =	stream.strided.scatter [tilespmem:s6], [sflag:$0x3], $0x8000, s6, s9, $0x38;
	[tilespmem:$0x18800] =	vst v63  }
0x7a: {  	_ =	swait.ge [sflag:s4], $0x8000  }
0x7b: {  	[sflag:s4] =	ssyncset.done $0x0  }
0x7c: {  	[sflag:s4] =	ssyncadd.s32 $0xFFFF8000  }
0x7d: {  	[tilespmem:s6], [sflag:$0x1] =	stream.indirect.gather [hbm4b:s3+s21], $0x80, s28, s21, $0xb8;
	[tilespmem:$0x18800] =	vst v63  }
0x7e: {  	_ = 	snop  }
0x7f: {  	[tilespmem:s12], [sflag:$0x3] =	stream.linear.gather [hbm4b:s19+s2], $0x8000, $0x38;
	[tilespmem:$0x18800] =	vst v63  }
0x80: {  	_ =	swait.ge [sflag:s4], $0x8000  }
0x81: {  	[sflag:s4] =	ssyncset.done $0x0  }
0x82: {  	[sflag:s4] =	ssyncadd.s32 $0xFFFF8000  }
0x83: {  	[hbm4b:s18+s9] =	stream.strided.scatter [tilespmem:s12], [sflag:$0x3], $0x8000, s6, s9, $0x38;
	[tilespmem:$0x18800] =	vst v63  }
0x84: {  	_ =	swait.ge [sflag:s4], $0x8000  }
0x85: {  	[sflag:s4] =	ssyncset.done $0x0  }
0x86: {  	[sflag:s4] =	ssyncadd.s32 $0xFFFF8000  }
0x87: {  	_ =	swait.ge [sflag:s13], $0x8000  }
0x88: {  	[sflag:s13] =	ssyncset.done $0x0  }
0x89: {  	[sflag:s13] =	ssyncadd.s32 $0xFFFF8000  }
0x8a: {  	[hbm4b:s16+s9] =	stream.strided.scatter [tilespmem:s7], [sflag:$0x3], $0x8000, s6, s9, $0x38;
	[tilespmem:$0x18800] =	vst v63  }
0x8b: {  	_ =	swait.ge [sflag:s4], $0x8000  }
0x8c: {  	[sflag:s4] =	ssyncset.done $0x0  }
0x8d: {  	[sflag:s4] =	ssyncadd.s32 $0xFFFF8000  }
0x8e: {  	[tilespmem:s7], [sflag:$0x2] =	stream.indirect.gather [hbm4b:s3+s21], $0x80, s25, s21, $0xb8;
	[tilespmem:$0x18800] =	vst v63  }
0x8f: {  	_ = 	snop  }
0x90: {  	[tilespmem:s12], [sflag:$0x3] =	stream.linear.gather [hbm4b:s15+s2], $0x8000, $0x38;
	[tilespmem:$0x18800] =	vst v63  }
0x91: {  	_ =	swait.ge [sflag:s4], $0x8000  }
0x92: {  	[sflag:s4] =	ssyncset.done $0x0  }
0x93: {  	[sflag:s4] =	ssyncadd.s32 $0xFFFF8000  }
0x94: {  	[hbm4b:s14+s9] =	stream.strided.scatter [tilespmem:s12], [sflag:$0x3], $0x8000, s6, s9, $0x38;
	[tilespmem:$0x18800] =	vst v63  }
0x95: {  	_ =	swait.ge [sflag:s4], $0x8000  }
0x96: {  	[sflag:s4] =	ssyncset.done $0x0  }
0x97: {  	[sflag:s4] =	ssyncadd.s32 $0xFFFF8000  }
0x98: {  	_ =	swait.ge [sflag:s17], $0x8000  }
0x99: {  	[sflag:s17] =	ssyncset.done $0x0  }
0x9a: {  	[sflag:s17] =	ssyncadd.s32 $0xFFFF8000  }
0x9b: {  	[hbm4b:s11+s9] =	stream.strided.scatter [tilespmem:s6], [sflag:$0x3], $0x8000, s6, s9, $0x38;
	[tilespmem:$0x18800] =	vst v63  }
0x9c: {  	_ =	swait.ge [sflag:s4], $0x8000  }
0x9d: {  	[sflag:s4] =	ssyncset.done $0x0  }
0x9e: {  	[sflag:s4] =	ssyncadd.s32 $0xFFFF8000  }
0x9f: {  	[tilespmem:s12], [sflag:$0x3] =	stream.linear.gather [hbm4b:s10+s2], $0x8000, $0x38;
	[tilespmem:$0x18800] =	vst v63  }
0xa0: {  	_ =	swait.ge [sflag:s4], $0x8000  }
0xa1: {  	[sflag:s4] =	ssyncset.done $0x0  }
0xa2: {  	[sflag:s4] =	ssyncadd.s32 $0xFFFF8000  }
0xa3: {  	[hbm4b:s8+s9] =	stream.strided.scatter [tilespmem:s12], [sflag:$0x3], $0x8000, s6, s9, $0x38;
	[tilespmem:$0x18800] =	vst v63  }
0xa4: {  	_ =	swait.ge [sflag:s4], $0x8000  }
0xa5: {  	[sflag:s4] =	ssyncset.done $0x0  }
0xa6: {  	[sflag:s4] =	ssyncadd.s32 $0xFFFF8000  }
0xa7: {  	p1 =	sne.s32 s1, $0x1;
	_ =	swait.ge [sflag:s13], $0x8000  }
.Ltmp1:
0xa8: {  	[sflag:s13] =	ssyncset.done $0x0;
	(pc) =	sbr.rel @!p1 .LBB2_3-.Ltmp1, $4  }
0xa9: {  	[sflag:s13] =	ssyncadd.s32 $0xFFFF8000  }
0xaa: {  	[hbm4b:s5+s9] =	stream.strided.scatter [tilespmem:s7], [sflag:$0x3], $0x8000, s6, s9, $0x38;
	[tilespmem:$0x18800] =	vst v63  }
0xab: {  	s1 =	sadd.s32 $0xFFFFFFFF, s1;
	_ =	swait.ge [sflag:s4], $0x8000  }
0xac: {  	p0 =	por $0x1, $0x1;
	s0 =	rddreg [dreg:$0x4];
	[sflag:s4] =	ssyncset.done $0x0  }
.LBB2_2:
0xad: {  	[sflag:s4] =	ssyncadd.s32 $0xFFFF8000  }
0xae: {  	[tilespmem:s2], [sflag:$0x3] =	stream.linear.gather [hbm4b:s0+s2], $0x800, $0x38;
	[tilespmem:$0x18800] =	vst v63  }
0xaf: {  	_ =	swait.ge [sflag:s4], $0x800  }
0xb0: {  	[sflag:s4] =	ssyncset.done $0x0  }
0xb1: {  	[sflag:s4] =	ssyncadd.s32 $0xFFFFF800  }
0xb2: {  	[tilespmem:s6], [sflag:$0x1] =	stream.indirect.gather [hbm4b:s3+s21], $0x80, s2, s21, $0xb8;
	[tilespmem:$0x18800] =	vst v63  }
0xb3: {  	_ = 	snop  }
0xb4: {  	[tilespmem:s7], [sflag:$0x2] =	stream.indirect.gather [hbm4b:s3+s21], $0x80, s21, s21, $0xb8;
	[tilespmem:$0x18800] =	vst v63  }
0xb5: {  	s0 =	rddreg [dreg:$0x5]  }
0xb6: {  	[tilespmem:s12], [sflag:$0x3] =	stream.linear.gather [hbm4b:s0+s2], $0x8000, $0x38;
	[tilespmem:$0x18800] =	vst v63  }
0xb7: {  	_ =	swait.ge [sflag:s4], $0x8000  }
0xb8: {  	[sflag:s4] =	ssyncset.done $0x0  }
0xb9: {  	s0 =	rddreg [dreg:$0x6];
	[sflag:s4] =	ssyncadd.s32 $0xFFFF8000  }
0xba: {  	[hbm4b:s0+s9] =	stream.strided.scatter [tilespmem:s12], [sflag:$0x3], $0x8000, s6, s9, $0x38;
	[tilespmem:$0x18800] =	vst v63  }
0xbb: {  	_ =	swait.ge [sflag:s4], $0x8000  }
0xbc: {  	[sflag:s4] =	ssyncset.done $0x0  }
0xbd: {  	[sflag:s4] =	ssyncadd.s32 $0xFFFF8000  }
0xbe: {  	_ =	swait.ge [sflag:s17], $0x8000  }
0xbf: {  	[sflag:s17] =	ssyncset.done $0x0  }
0xc0: {  	s0 =	rddreg [dreg:$0x7];
	[sflag:s17] =	ssyncadd.s32 $0xFFFF8000  }
0xc1: {  	[hbm4b:s0+s9] =	stream.strided.scatter [tilespmem:s6], [sflag:$0x3], $0x8000, s6, s9, $0x38;
	[tilespmem:$0x18800] =	vst v63  }
0xc2: {  	_ =	swait.ge [sflag:s4], $0x8000  }
0xc3: {  	[sflag:s4] =	ssyncset.done $0x0  }
0xc4: {  	[sflag:s4] =	ssyncadd.s32 $0xFFFF8000  }
0xc5: {  	[tilespmem:s6], [sflag:$0x1] =	stream.indirect.gather [hbm4b:s3+s21], $0x80, s31, s21, $0xb8;
	[tilespmem:$0x18800] =	vst v63  }
0xc6: {  	s0 =	rddreg [dreg:$0x8]  }
0xc7: {  	[tilespmem:s12], [sflag:$0x3] =	stream.linear.gather [hbm4b:s0+s2], $0x8000, $0x38;
	[tilespmem:$0x18800] =	vst v63  }
0xc8: {  	_ =	swait.ge [sflag:s4], $0x8000  }
0xc9: {  	[sflag:s4] =	ssyncset.done $0x0  }
0xca: {  	s0 =	rddreg [dreg:$0x9];
	[sflag:s4] =	ssyncadd.s32 $0xFFFF8000  }
0xcb: {  	[hbm4b:s0+s9] =	stream.strided.scatter [tilespmem:s12], [sflag:$0x3], $0x8000, s6, s9, $0x38;
	[tilespmem:$0x18800] =	vst v63  }
0xcc: {  	_ =	swait.ge [sflag:s4], $0x8000  }
0xcd: {  	[sflag:s4] =	ssyncset.done $0x0  }
0xce: {  	[sflag:s4] =	ssyncadd.s32 $0xFFFF8000  }
0xcf: {  	_ =	swait.ge [sflag:s13], $0x8000  }
0xd0: {  	[sflag:s13] =	ssyncset.done $0x0  }
0xd1: {  	s0 =	rddreg [dreg:$0xa];
	[sflag:s13] =	ssyncadd.s32 $0xFFFF8000  }
0xd2: {  	[hbm4b:s0+s9] =	stream.strided.scatter [tilespmem:s7], [sflag:$0x3], $0x8000, s6, s9, $0x38;
	[tilespmem:$0x18800] =	vst v63  }
0xd3: {  	_ =	swait.ge [sflag:s4], $0x8000  }
0xd4: {  	[sflag:s4] =	ssyncset.done $0x0  }
0xd5: {  	[sflag:s4] =	ssyncadd.s32 $0xFFFF8000  }
0xd6: {  	[tilespmem:s7], [sflag:$0x2] =	stream.indirect.gather [hbm4b:s3+s21], $0x80, s30, s21, $0xb8;
	[tilespmem:$0x18800] =	vst v63  }
0xd7: {  	s0 =	rddreg [dreg:$0xb]  }
0xd8: {  	[tilespmem:s12], [sflag:$0x3] =	stream.linear.gather [hbm4b:s0+s2], $0x8000, $0x38;
	[tilespmem:$0x18800] =	vst v63  }
0xd9: {  	_ =	swait.ge [sflag:s4], $0x8000  }
0xda: {  	[sflag:s4] =	ssyncset.done $0x0  }
0xdb: {  	s0 =	rddreg [dreg:$0xc];
	[sflag:s4] =	ssyncadd.s32 $0xFFFF8000  }
0xdc: {  	[hbm4b:s0+s9] =	stream.strided.scatter [tilespmem:s12], [sflag:$0x3], $0x8000, s6, s9, $0x38;
	[tilespmem:$0x18800] =	vst v63  }
0xdd: {  	_ =	swait.ge [sflag:s4], $0x8000  }
0xde: {  	[sflag:s4] =	ssyncset.done $0x0  }
0xdf: {  	[sflag:s4] =	ssyncadd.s32 $0xFFFF8000  }
0xe0: {  	_ =	swait.ge [sflag:s17], $0x8000  }
0xe1: {  	[sflag:s17] =	ssyncset.done $0x0  }
0xe2: {  	s0 =	rddreg [dreg:$0xd];
	[sflag:s17] =	ssyncadd.s32 $0xFFFF8000  }
0xe3: {  	[hbm4b:s0+s9] =	stream.strided.scatter [tilespmem:s6], [sflag:$0x3], $0x8000, s6, s9, $0x38;
	[tilespmem:$0x18800] =	vst v63  }
0xe4: {  	_ =	swait.ge [sflag:s4], $0x8000  }
0xe5: {  	[sflag:s4] =	ssyncset.done $0x0  }
0xe6: {  	[sflag:s4] =	ssyncadd.s32 $0xFFFF8000  }
0xe7: {  	[tilespmem:s6], [sflag:$0x1] =	stream.indirect.gather [hbm4b:s3+s21], $0x80, s9, s21, $0xb8;
	[tilespmem:$0x18800] =	vst v63  }
0xe8: {  	s0 =	rddreg [dreg:$0xe]  }
0xe9: {  	[tilespmem:s12], [sflag:$0x3] =	stream.linear.gather [hbm4b:s0+s2], $0x8000, $0x38;
	[tilespmem:$0x18800] =	vst v63  }
0xea: {  	_ =	swait.ge [sflag:s4], $0x8000  }
0xeb: {  	[sflag:s4] =	ssyncset.done $0x0  }
0xec: {  	[sflag:s4] =	ssyncadd.s32 $0xFFFF8000  }
0xed: {  	[hbm4b:s26+s9] =	stream.strided.scatter [tilespmem:s12], [sflag:$0x3], $0x8000, s6, s9, $0x38;
	[tilespmem:$0x18800] =	vst v63  }
0xee: {  	_ =	swait.ge [sflag:s4], $0x8000  }
0xef: {  	[sflag:s4] =	ssyncset.done $0x0  }
0xf0: {  	[sflag:s4] =	ssyncadd.s32 $0xFFFF8000  }
0xf1: {  	_ =	swait.ge [sflag:s13], $0x8000  }
0xf2: {  	[sflag:s13] =	ssyncset.done $0x0  }
0xf3: {  	[sflag:s13] =	ssyncadd.s32 $0xFFFF8000  }
0xf4: {  	[hbm4b:s24+s9] =	stream.strided.scatter [tilespmem:s7], [sflag:$0x3], $0x8000, s6, s9, $0x38;
	[tilespmem:$0x18800] =	vst v63  }
0xf5: {  	_ =	swait.ge [sflag:s4], $0x8000  }
0xf6: {  	[sflag:s4] =	ssyncset.done $0x0  }
0xf7: {  	[sflag:s4] =	ssyncadd.s32 $0xFFFF8000  }
0xf8: {  	[tilespmem:s7], [sflag:$0x2] =	stream.indirect.gather [hbm4b:s3+s21], $0x80, s29, s21, $0xb8;
	[tilespmem:$0x18800] =	vst v63  }
0xf9: {  	_ = 	snop  }
0xfa: {  	[tilespmem:s12], [sflag:$0x3] =	stream.linear.gather [hbm4b:s23+s2], $0x8000, $0x38;
	[tilespmem:$0x18800] =	vst v63  }
0xfb: {  	_ =	swait.ge [sflag:s4], $0x8000  }
0xfc: {  	[sflag:s4] =	ssyncset.done $0x0  }
0xfd: {  	[sflag:s4] =	ssyncadd.s32 $0xFFFF8000  }
0xfe: {  	[hbm4b:s22+s9] =	stream.strided.scatter [tilespmem:s12], [sflag:$0x3], $0x8000, s6, s9, $0x38;
	[tilespmem:$0x18800] =	vst v63  }
0xff: {  	_ =	swait.ge [sflag:s4], $0x8000  }
0x100: {  	[sflag:s4] =	ssyncset.done $0x0  }
0x101: {  	[sflag:s4] =	ssyncadd.s32 $0xFFFF8000  }
0x102: {  	_ =	swait.ge [sflag:s17], $0x8000  }
0x103: {  	[sflag:s17] =	ssyncset.done $0x0  }
0x104: {  	[sflag:s17] =	ssyncadd.s32 $0xFFFF8000  }
0x105: {  	[hbm4b:s20+s9] =	stream.strided.scatter [tilespmem:s6], [sflag:$0x3], $0x8000, s6, s9, $0x38;
	[tilespmem:$0x18800] =	vst v63  }
0x106: {  	_ =	swait.ge [sflag:s4], $0x8000  }
0x107: {  	[sflag:s4] =	ssyncset.done $0x0  }
0x108: {  	[sflag:s4] =	ssyncadd.s32 $0xFFFF8000  }
0x109: {  	[tilespmem:s6], [sflag:$0x1] =	stream.indirect.gather [hbm4b:s3+s21], $0x80, s28, s21, $0xb8;
	[tilespmem:$0x18800] =	vst v63  }
0x10a: {  	_ = 	snop  }
0x10b: {  	[tilespmem:s12], [sflag:$0x3] =	stream.linear.gather [hbm4b:s19+s2], $0x8000, $0x38;
	[tilespmem:$0x18800] =	vst v63  }
0x10c: {  	_ =	swait.ge [sflag:s4], $0x8000  }
0x10d: {  	[sflag:s4] =	ssyncset.done $0x0  }
0x10e: {  	[sflag:s4] =	ssyncadd.s32 $0xFFFF8000  }
0x10f: {  	[hbm4b:s18+s9] =	stream.strided.scatter [tilespmem:s12], [sflag:$0x3], $0x8000, s6, s9, $0x38;
	[tilespmem:$0x18800] =	vst v63  }
0x110: {  	_ =	swait.ge [sflag:s4], $0x8000  }
0x111: {  	[sflag:s4] =	ssyncset.done $0x0  }
0x112: {  	[sflag:s4] =	ssyncadd.s32 $0xFFFF8000  }
0x113: {  	_ =	swait.ge [sflag:s13], $0x8000  }
0x114: {  	[sflag:s13] =	ssyncset.done $0x0  }
0x115: {  	[sflag:s13] =	ssyncadd.s32 $0xFFFF8000  }
0x116: {  	[hbm4b:s16+s9] =	stream.strided.scatter [tilespmem:s7], [sflag:$0x3], $0x8000, s6, s9, $0x38;
	[tilespmem:$0x18800] =	vst v63  }
0x117: {  	_ =	swait.ge [sflag:s4], $0x8000  }
0x118: {  	[sflag:s4] =	ssyncset.done $0x0  }
0x119: {  	[sflag:s4] =	ssyncadd.s32 $0xFFFF8000  }
0x11a: {  	[tilespmem:s7], [sflag:$0x2] =	stream.indirect.gather [hbm4b:s3+s21], $0x80, s25, s21, $0xb8;
	[tilespmem:$0x18800] =	vst v63  }
0x11b: {  	_ = 	snop  }
0x11c: {  	[tilespmem:s12], [sflag:$0x3] =	stream.linear.gather [hbm4b:s15+s2], $0x8000, $0x38;
	[tilespmem:$0x18800] =	vst v63  }
0x11d: {  	_ =	swait.ge [sflag:s4], $0x8000  }
0x11e: {  	[sflag:s4] =	ssyncset.done $0x0  }
0x11f: {  	[sflag:s4] =	ssyncadd.s32 $0xFFFF8000  }
0x120: {  	[hbm4b:s14+s9] =	stream.strided.scatter [tilespmem:s12], [sflag:$0x3], $0x8000, s6, s9, $0x38;
	[tilespmem:$0x18800] =	vst v63  }
0x121: {  	_ =	swait.ge [sflag:s4], $0x8000  }
0x122: {  	[sflag:s4] =	ssyncset.done $0x0  }
0x123: {  	[sflag:s4] =	ssyncadd.s32 $0xFFFF8000  }
0x124: {  	_ =	swait.ge [sflag:s17], $0x8000  }
0x125: {  	[sflag:s17] =	ssyncset.done $0x0  }
0x126: {  	[sflag:s17] =	ssyncadd.s32 $0xFFFF8000  }
0x127: {  	[hbm4b:s11+s9] =	stream.strided.scatter [tilespmem:s6], [sflag:$0x3], $0x8000, s6, s9, $0x38;
	[tilespmem:$0x18800] =	vst v63  }
0x128: {  	_ =	swait.ge [sflag:s4], $0x8000  }
0x129: {  	[sflag:s4] =	ssyncset.done $0x0  }
0x12a: {  	[sflag:s4] =	ssyncadd.s32 $0xFFFF8000  }
0x12b: {  	[tilespmem:s12], [sflag:$0x3] =	stream.linear.gather [hbm4b:s10+s2], $0x8000, $0x38;
	[tilespmem:$0x18800] =	vst v63  }
0x12c: {  	_ =	swait.ge [sflag:s4], $0x8000  }
0x12d: {  	[sflag:s4] =	ssyncset.done $0x0  }
0x12e: {  	[sflag:s4] =	ssyncadd.s32 $0xFFFF8000  }
0x12f: {  	[hbm4b:s8+s9] =	stream.strided.scatter [tilespmem:s12], [sflag:$0x3], $0x8000, s6, s9, $0x38;
	[tilespmem:$0x18800] =	vst v63  }
0x130: {  	_ =	swait.ge [sflag:s4], $0x8000  }
0x131: {  	[sflag:s4] =	ssyncset.done $0x0  }
0x132: {  	[sflag:s4] =	ssyncadd.s32 $0xFFFF8000  }
0x133: {  	p1 =	sne.s32 s1, $0x1;
	_ =	swait.ge [sflag:s13], $0x8000  }
.Ltmp2:
0x134: {  	[sflag:s13] =	ssyncset.done $0x0;
	(pc) =	sbr.rel @p1 .LBB2_2-.Ltmp2, $4  }
0x135: {  	[sflag:s13] =	ssyncadd.s32 $0xFFFF8000  }
0x136: {  	[hbm4b:s5+s9] =	stream.strided.scatter [tilespmem:s7], [sflag:$0x3], $0x8000, s6, s9, $0x38;
	[tilespmem:$0x18800] =	vst v63  }
0x137: {  	_ =	swait.ge [sflag:s4], $0x8000  }
0x138: {  	s1 =	sadd.s32 $0xFFFFFFFF, s1;
	s0 =	rddreg [dreg:$0x4];
	[sflag:s4] =	ssyncset.done $0x0  }
.LBB2_3:
0x139: {  	[sflag:s4] =	ssyncadd.s32 @p0 $0xFFFF8000  }
0x13a: {  	[tilespmem:s2], [sflag:$0x3] =	stream.linear.gather [hbm4b:s0+s2], $0x800, $0x38;
	[tilespmem:$0x18800] =	vst v63  }
0x13b: {  	_ =	swait.ge [sflag:s4], $0x800  }
0x13c: {  	[sflag:s4] =	ssyncset.done $0x0  }
0x13d: {  	[sflag:s4] =	ssyncadd.s32 $0xFFFFF800  }
0x13e: {  	[tilespmem:s6], [sflag:$0x1] =	stream.indirect.gather [hbm4b:s3+s21], $0x80, s2, s21, $0xb8;
	[tilespmem:$0x18800] =	vst v63  }
0x13f: {  	_ = 	snop  }
0x140: {  	[tilespmem:s7], [sflag:$0x2] =	stream.indirect.gather [hbm4b:s3+s21], $0x80, s21, s21, $0xb8;
	[tilespmem:$0x18800] =	vst v63  }
0x141: {  	s1 =	rddreg [dreg:$0x5]  }
0x142: {  	[tilespmem:s12], [sflag:$0x3] =	stream.linear.gather [hbm4b:s1+s2], $0x8000, $0x38;
	[tilespmem:$0x18800] =	vst v63  }
0x143: {  	_ =	swait.ge [sflag:s4], $0x8000  }
0x144: {  	[sflag:s4] =	ssyncset.done $0x0  }
0x145: {  	s1 =	rddreg [dreg:$0x6];
	[sflag:s4] =	ssyncadd.s32 $0xFFFF8000  }
0x146: {  	[hbm4b:s1+s9] =	stream.strided.scatter [tilespmem:s12], [sflag:$0x3], $0x8000, s6, s9, $0x38;
	[tilespmem:$0x18800] =	vst v63  }
0x147: {  	_ =	swait.ge [sflag:s4], $0x8000  }
0x148: {  	[sflag:s4] =	ssyncset.done $0x0  }
0x149: {  	[sflag:s4] =	ssyncadd.s32 $0xFFFF8000  }
0x14a: {  	_ =	swait.ge [sflag:s17], $0x8000  }
0x14b: {  	[sflag:s17] =	ssyncset.done $0x0  }
0x14c: {  	s1 =	rddreg [dreg:$0x7];
	[sflag:s17] =	ssyncadd.s32 $0xFFFF8000  }
0x14d: {  	[hbm4b:s1+s9] =	stream.strided.scatter [tilespmem:s6], [sflag:$0x3], $0x8000, s6, s9, $0x38;
	[tilespmem:$0x18800] =	vst v63  }
0x14e: {  	_ =	swait.ge [sflag:s4], $0x8000  }
0x14f: {  	[sflag:s4] =	ssyncset.done $0x0  }
0x150: {  	[sflag:s4] =	ssyncadd.s32 $0xFFFF8000  }
0x151: {  	[tilespmem:s6], [sflag:$0x1] =	stream.indirect.gather [hbm4b:s3+s21], $0x80, s31, s21, $0xb8;
	[tilespmem:$0x18800] =	vst v63  }
0x152: {  	s1 =	rddreg [dreg:$0x8]  }
0x153: {  	[tilespmem:s12], [sflag:$0x3] =	stream.linear.gather [hbm4b:s1+s2], $0x8000, $0x38;
	[tilespmem:$0x18800] =	vst v63  }
0x154: {  	_ =	swait.ge [sflag:s4], $0x8000  }
0x155: {  	[sflag:s4] =	ssyncset.done $0x0  }
0x156: {  	s1 =	rddreg [dreg:$0x9];
	[sflag:s4] =	ssyncadd.s32 $0xFFFF8000  }
0x157: {  	[hbm4b:s1+s9] =	stream.strided.scatter [tilespmem:s12], [sflag:$0x3], $0x8000, s6, s9, $0x38;
	[tilespmem:$0x18800] =	vst v63  }
0x158: {  	_ =	swait.ge [sflag:s4], $0x8000  }
0x159: {  	[sflag:s4] =	ssyncset.done $0x0  }
0x15a: {  	[sflag:s4] =	ssyncadd.s32 $0xFFFF8000  }
0x15b: {  	_ =	swait.ge [sflag:s13], $0x8000  }
0x15c: {  	[sflag:s13] =	ssyncset.done $0x0  }
0x15d: {  	s31 =	rddreg [dreg:$0xa];
	[sflag:s13] =	ssyncadd.s32 $0xFFFF8000  }
0x15e: {  	[hbm4b:s31+s9] =	stream.strided.scatter [tilespmem:s7], [sflag:$0x3], $0x8000, s6, s9, $0x38;
	[tilespmem:$0x18800] =	vst v63  }
0x15f: {  	_ =	swait.ge [sflag:s4], $0x8000  }
0x160: {  	[sflag:s4] =	ssyncset.done $0x0  }
0x161: {  	[sflag:s4] =	ssyncadd.s32 $0xFFFF8000  }
0x162: {  	[tilespmem:s7], [sflag:$0x2] =	stream.indirect.gather [hbm4b:s3+s21], $0x80, s30, s21, $0xb8;
	[tilespmem:$0x18800] =	vst v63  }
0x163: {  	s1 =	rddreg [dreg:$0xb]  }
0x164: {  	[tilespmem:s12], [sflag:$0x3] =	stream.linear.gather [hbm4b:s1+s2], $0x8000, $0x38;
	[tilespmem:$0x18800] =	vst v63  }
0x165: {  	_ =	swait.ge [sflag:s4], $0x8000  }
0x166: {  	[sflag:s4] =	ssyncset.done $0x0  }
0x167: {  	s31 =	rddreg [dreg:$0xc];
	[sflag:s4] =	ssyncadd.s32 $0xFFFF8000  }
0x168: {  	[hbm4b:s31+s9] =	stream.strided.scatter [tilespmem:s12], [sflag:$0x3], $0x8000, s6, s9, $0x38;
	[tilespmem:$0x18800] =	vst v63  }
0x169: {  	_ =	swait.ge [sflag:s4], $0x8000  }
0x16a: {  	[sflag:s4] =	ssyncset.done $0x0  }
0x16b: {  	[sflag:s4] =	ssyncadd.s32 $0xFFFF8000  }
0x16c: {  	_ =	swait.ge [sflag:s17], $0x8000  }
0x16d: {  	[sflag:s17] =	ssyncset.done $0x0  }
0x16e: {  	s1 =	rddreg [dreg:$0xd];
	[sflag:s17] =	ssyncadd.s32 $0xFFFF8000  }
0x16f: {  	[hbm4b:s1+s9] =	stream.strided.scatter [tilespmem:s6], [sflag:$0x3], $0x8000, s6, s9, $0x38;
	[tilespmem:$0x18800] =	vst v63  }
0x170: {  	_ =	swait.ge [sflag:s4], $0x8000  }
0x171: {  	[sflag:s4] =	ssyncset.done $0x0  }
0x172: {  	[sflag:s4] =	ssyncadd.s32 $0xFFFF8000  }
0x173: {  	[tilespmem:s6], [sflag:$0x1] =	stream.indirect.gather [hbm4b:s3+s21], $0x80, s9, s21, $0xb8;
	[tilespmem:$0x18800] =	vst v63  }
0x174: {  	s30 =	rddreg [dreg:$0xe]  }
0x175: {  	[tilespmem:s12], [sflag:$0x3] =	stream.linear.gather [hbm4b:s30+s2], $0x8000, $0x38;
	[tilespmem:$0x18800] =	vst v63  }
0x176: {  	_ =	swait.ge [sflag:s4], $0x8000  }
0x177: {  	[sflag:s4] =	ssyncset.done $0x0  }
0x178: {  	[sflag:s4] =	ssyncadd.s32 $0xFFFF8000  }
0x179: {  	[hbm4b:s26+s9] =	stream.strided.scatter [tilespmem:s12], [sflag:$0x3], $0x8000, s6, s9, $0x38;
	[tilespmem:$0x18800] =	vst v63  }
0x17a: {  	_ =	swait.ge [sflag:s4], $0x8000  }
0x17b: {  	[sflag:s4] =	ssyncset.done $0x0  }
0x17c: {  	[sflag:s4] =	ssyncadd.s32 $0xFFFF8000  }
0x17d: {  	_ =	swait.ge [sflag:s13], $0x8000  }
0x17e: {  	[sflag:s13] =	ssyncset.done $0x0  }
0x17f: {  	[sflag:s13] =	ssyncadd.s32 $0xFFFF8000  }
0x180: {  	[hbm4b:s24+s9] =	stream.strided.scatter [tilespmem:s7], [sflag:$0x3], $0x8000, s6, s9, $0x38;
	[tilespmem:$0x18800] =	vst v63  }
0x181: {  	_ =	swait.ge [sflag:s4], $0x8000  }
0x182: {  	[sflag:s4] =	ssyncset.done $0x0  }
0x183: {  	[sflag:s4] =	ssyncadd.s32 $0xFFFF8000  }
0x184: {  	[tilespmem:s7], [sflag:$0x2] =	stream.indirect.gather [hbm4b:s3+s21], $0x80, s29, s21, $0xb8;
	[tilespmem:$0x18800] =	vst v63  }
0x185: {  	_ = 	snop  }
0x186: {  	[tilespmem:s12], [sflag:$0x3] =	stream.linear.gather [hbm4b:s23+s2], $0x8000, $0x38;
	[tilespmem:$0x18800] =	vst v63  }
0x187: {  	_ =	swait.ge [sflag:s4], $0x8000  }
0x188: {  	[sflag:s4] =	ssyncset.done $0x0  }
0x189: {  	[sflag:s4] =	ssyncadd.s32 $0xFFFF8000  }
0x18a: {  	[hbm4b:s22+s9] =	stream.strided.scatter [tilespmem:s12], [sflag:$0x3], $0x8000, s6, s9, $0x38;
	[tilespmem:$0x18800] =	vst v63  }
0x18b: {  	_ =	swait.ge [sflag:s4], $0x8000  }
0x18c: {  	[sflag:s4] =	ssyncset.done $0x0  }
0x18d: {  	[sflag:s4] =	ssyncadd.s32 $0xFFFF8000  }
0x18e: {  	_ =	swait.ge [sflag:s17], $0x8000  }
0x18f: {  	[sflag:s17] =	ssyncset.done $0x0  }
0x190: {  	[sflag:s17] =	ssyncadd.s32 $0xFFFF8000  }
0x191: {  	[hbm4b:s20+s9] =	stream.strided.scatter [tilespmem:s6], [sflag:$0x3], $0x8000, s6, s9, $0x38;
	[tilespmem:$0x18800] =	vst v63  }
0x192: {  	_ =	swait.ge [sflag:s4], $0x8000  }
0x193: {  	[sflag:s4] =	ssyncset.done $0x0  }
0x194: {  	[sflag:s4] =	ssyncadd.s32 $0xFFFF8000  }
0x195: {  	[tilespmem:s6], [sflag:$0x1] =	stream.indirect.gather [hbm4b:s3+s21], $0x80, s28, s21, $0xb8;
	[tilespmem:$0x18800] =	vst v63  }
0x196: {  	_ = 	snop  }
0x197: {  	[tilespmem:s12], [sflag:$0x3] =	stream.linear.gather [hbm4b:s19+s2], $0x8000, $0x38;
	[tilespmem:$0x18800] =	vst v63  }
0x198: {  	_ =	swait.ge [sflag:s4], $0x8000  }
0x199: {  	[sflag:s4] =	ssyncset.done $0x0  }
0x19a: {  	[sflag:s4] =	ssyncadd.s32 $0xFFFF8000  }
0x19b: {  	[hbm4b:s18+s9] =	stream.strided.scatter [tilespmem:s12], [sflag:$0x3], $0x8000, s6, s9, $0x38;
	[tilespmem:$0x18800] =	vst v63  }
0x19c: {  	_ =	swait.ge [sflag:s4], $0x8000  }
0x19d: {  	[sflag:s4] =	ssyncset.done $0x0  }
0x19e: {  	[sflag:s4] =	ssyncadd.s32 $0xFFFF8000  }
0x19f: {  	_ =	swait.ge [sflag:s13], $0x8000  }
0x1a0: {  	[sflag:s13] =	ssyncset.done $0x0  }
0x1a1: {  	[sflag:s13] =	ssyncadd.s32 $0xFFFF8000  }
0x1a2: {  	[hbm4b:s16+s9] =	stream.strided.scatter [tilespmem:s7], [sflag:$0x3], $0x8000, s6, s9, $0x38;
	[tilespmem:$0x18800] =	vst v63  }
0x1a3: {  	_ =	swait.ge [sflag:s4], $0x8000  }
0x1a4: {  	[sflag:s4] =	ssyncset.done $0x0  }
0x1a5: {  	[sflag:s4] =	ssyncadd.s32 $0xFFFF8000  }
0x1a6: {  	[tilespmem:s7], [sflag:$0x2] =	stream.indirect.gather [hbm4b:s3+s21], $0x80, s25, s21, $0xb8;
	[tilespmem:$0x18800] =	vst v63  }
0x1a7: {  	_ = 	snop  }
0x1a8: {  	[tilespmem:s12], [sflag:$0x3] =	stream.linear.gather [hbm4b:s15+s2], $0x8000, $0x38;
	[tilespmem:$0x18800] =	vst v63  }
0x1a9: {  	_ =	swait.ge [sflag:s4], $0x8000  }
0x1aa: {  	[sflag:s4] =	ssyncset.done $0x0  }
0x1ab: {  	[sflag:s4] =	ssyncadd.s32 $0xFFFF8000  }
0x1ac: {  	[hbm4b:s14+s9] =	stream.strided.scatter [tilespmem:s12], [sflag:$0x3], $0x8000, s6, s9, $0x38;
	[tilespmem:$0x18800] =	vst v63  }
0x1ad: {  	_ =	swait.ge [sflag:s4], $0x8000  }
0x1ae: {  	[sflag:s4] =	ssyncset.done $0x0  }
0x1af: {  	[sflag:s4] =	ssyncadd.s32 $0xFFFF8000  }
0x1b0: {  	_ =	swait.ge [sflag:s17], $0x8000  }
0x1b1: {  	[sflag:s17] =	ssyncset.done $0x0  }
0x1b2: {  	[sflag:s17] =	ssyncadd.s32 $0xFFFF8000  }
0x1b3: {  	[hbm4b:s11+s9] =	stream.strided.scatter [tilespmem:s6], [sflag:$0x3], $0x8000, s6, s9, $0x38;
	[tilespmem:$0x18800] =	vst v63  }
0x1b4: {  	_ =	swait.ge [sflag:s4], $0x8000  }
0x1b5: {  	[sflag:s4] =	ssyncset.done $0x0  }
0x1b6: {  	[sflag:s4] =	ssyncadd.s32 $0xFFFF8000  }
0x1b7: {  	[tilespmem:s12], [sflag:$0x3] =	stream.linear.gather [hbm4b:s10+s2], $0x8000, $0x38;
	[tilespmem:$0x18800] =	vst v63  }
0x1b8: {  	_ =	swait.ge [sflag:s4], $0x8000  }
0x1b9: {  	[sflag:s4] =	ssyncset.done $0x0  }
0x1ba: {  	[sflag:s4] =	ssyncadd.s32 $0xFFFF8000  }
0x1bb: {  	[hbm4b:s8+s9] =	stream.strided.scatter [tilespmem:s12], [sflag:$0x3], $0x8000, s6, s9, $0x38;
	[tilespmem:$0x18800] =	vst v63  }
0x1bc: {  	_ =	swait.ge [sflag:s4], $0x8000  }
0x1bd: {  	[sflag:s4] =	ssyncset.done $0x0  }
0x1be: {  	[sflag:s4] =	ssyncadd.s32 $0xFFFF8000  }
0x1bf: {  	_ =	swait.ge [sflag:s13], $0x8000  }
0x1c0: {  	[sflag:s13] =	ssyncset.done $0x0  }
0x1c1: {  	[sflag:s13] =	ssyncadd.s32 $0xFFFF8000  }
0x1c2: {  	[hbm4b:s5+s9] =	stream.strided.scatter [tilespmem:s7], [sflag:$0x3], $0x8000, s6, s9, $0x38;
	[tilespmem:$0x18800] =	vst v63  }
0x1c3: {  	_ =	swait.ge [sflag:s4], $0x8000  }
0x1c4: {  	[sflag:s4] =	ssyncset.done $0x0  }
0x1c5: {  	[sflag:s4] =	ssyncadd.s32 $0xFFFF8000  }
0x1c6: {  	_ =	sfence.sel $0x180000  }
0x1c7: {  	[bflag:$0x0] =	sbarrier.arrive $0xFFFF  }
0x1c8: {  	_ =	strace $0x90000047  }
0x1c9: {  	s31 =	stileid.u32;
	[bflag:$0x2] =	sbarrier.arrive $0xFFFF  }
0x1ca: {  	p0 =	sne.s32 s31, $0x0;
	s0 =	rddreg [dreg:$0x3]  }
0x1cb: {  	s0 =	sadd.s32 @!p0 $0x100000, s0  }
0x1cc: {  	[sflag:s0] =	ssyncadd.tile.s32 @!p0 $0x1;
	_ =	shalt  }
.Lfunc_end2:
_tile_overlayer_lowered:
.L_overlay_start_2:
0x1cd: {  	(tag) =	ssettag $0x2  }
0x1ce: {  	s0 =	rddreg [dreg:$0x0];
	s2 =	stileid.u32  }
0x1cf: {  	s1 =	rddreg [dreg:$0x1];
	p0 =	sne.s32 s2, $0x0  }
0x1d0: {  	s3 =	rddreg [dreg:$0x2];
	[bflag:$0x3] =	sbarrier.arrive $0xFFFF;
	s2 =	simm.s32 @!p0 $0x1C03  }
0x1d1: {  	[timem:s3], [sflag:s2] =	dma.local @!p0 [hbm:s0], s1  }
0x1d2: {  	s0 =	simm.s32 @!p0 $0x3  }
0x1d3: {  	_ =	swait.ge @!p0 [sflag:s0], s1  }
0x1d4: {  	s1 =	ssub.s32 @!p0 $0x0, s1;
	[sflag:s0] =	ssyncset.done @!p0 $0x0  }
0x1d5: {  	[sflag:s0] =	ssyncadd.s32 @!p0 s1  }
0x1d6: {  	[bflag:$0x3] =	sbarrier.arrive $0xFFFF  }
0x1d7: {  	_ =	shalt  }

</sc_bundles>
